<compile_context>
chip_gen: v7x
topology: tpu7x:2x2x1
jax: 0.10.2.dev20260603
libtpu: 0.0.44.dev20260713+nightly
codegen_flags: <defaults>
</compile_context>

<pallas_src>
import functools

import jax
import jax.numpy as jnp
from jax import lax
from jax.experimental import pallas as pl
from jax.experimental.pallas import tpu as pltpu
from jax.experimental.pallas import tpu_sc as plsc

N = 10000
D = 128
NC = 2
NS = 16
NW = NC * NS
NPAD = 10112
ROWS_PER_TILE = NPAD // NS
CHUNK = 128
NCHUNK0 = 98
NCHUNK1 = 60
EPW0 = NCHUNK0 * CHUNK
EPW1 = NCHUNK1 * CHUNK
EPAD = NS * (EPW0 + EPW1)

_MESH = plsc.VectorSubcoreMesh(core_axis_name="c", subcore_axis_name="s")


def _agg_body(with_cnt, *refs):
    if with_cnt:
        (h_hbm, src_hbm, dst_hbm, zrows_hbm, ones_hbm, psum_hbm, cnt_hbm,
         *bufs) = refs
    else:
        (h_hbm, src_hbm, dst_hbm, zrows_hbm, psum_hbm, *bufs) = refs
    (src0, dst0, rows0, acc_sh, gsem0) = bufs
    c = lax.axis_index("c")
    s = lax.axis_index("s")
    rs = s * ROWS_PER_TILE
    base0 = jnp.where(c == 0, s * EPW0, NS * EPW0 + s * EPW1)
    n_my = jnp.where(c == 0, NCHUNK0, NCHUNK1)

    pltpu.sync_copy(zrows_hbm, acc_sh.at[pl.ds(rs, ROWS_PER_TILE)])
    plsc.subcore_barrier()

    def step(i, carry):
        base = base0 + i * CHUNK
        pltpu.sync_copy(src_hbm.at[pl.ds(base, CHUNK)], src0)
        pltpu.sync_copy(dst_hbm.at[pl.ds(base, CHUNK)], dst0)
        pltpu.async_copy(h_hbm.at[src0], rows0, gsem0).wait()
        pltpu.sync_copy(rows0, acc_sh.at[dst0], add=True)
        return carry

    lax.fori_loop(0, n_my, step, 0)
    plsc.subcore_barrier()

    pltpu.sync_copy(acc_sh.at[pl.ds(rs, ROWS_PER_TILE)],
                    psum_hbm.at[c, pl.ds(rs, ROWS_PER_TILE)])

    if with_cnt:
        plsc.subcore_barrier()
        pltpu.sync_copy(zrows_hbm, acc_sh.at[pl.ds(rs, ROWS_PER_TILE)])
        pltpu.sync_copy(ones_hbm, rows0)
        plsc.subcore_barrier()

        def cstep(i, carry):
            base = base0 + i * CHUNK
            pltpu.sync_copy(dst_hbm.at[pl.ds(base, CHUNK)], dst0)
            pltpu.sync_copy(rows0, acc_sh.at[dst0], add=True)
            return carry

        lax.fori_loop(0, n_my, cstep, 0)
        plsc.subcore_barrier()
        pltpu.sync_copy(acc_sh.at[pl.ds(rs, ROWS_PER_TILE)],
                        cnt_hbm.at[c, pl.ds(rs, ROWS_PER_TILE)])


def _make_agg(with_cnt):
    out_type = [jax.ShapeDtypeStruct((NC, NPAD, D), jnp.float32)]
    if with_cnt:
        out_type.append(jax.ShapeDtypeStruct((NC, NPAD, D), jnp.float32))
    scratch = [
        pltpu.VMEM((CHUNK,), jnp.int32),
        pltpu.VMEM((CHUNK,), jnp.int32),
        pltpu.VMEM((CHUNK, D), jnp.float32),
        pltpu.VMEM_SHARED((NPAD, D), jnp.float32),
        pltpu.SemaphoreType.DMA,
    ]
    return pl.kernel(
        functools.partial(_agg_body, with_cnt),
        out_type=tuple(out_type) if with_cnt else out_type[0],
        mesh=_MESH,
        scratch_types=scratch,
        name="sage_edge_agg" + ("_cnt" if with_cnt else ""),
    )


_ROWS_BLK = 1024


def _recip_body(cnt_ref, out_ref):
    cnt = cnt_ref[0, :, 0:1] + cnt_ref[1, :, 0:1]
    out_ref[...] = 1.0 / jnp.maximum(cnt, 1.0)


_recip_call = pl.pallas_call(
    _recip_body,
    grid=(pl.cdiv(N, _ROWS_BLK),),
    in_specs=[pl.BlockSpec((NC, _ROWS_BLK, D), lambda i: (0, i, 0))],
    out_specs=pl.BlockSpec((_ROWS_BLK, 1), lambda i: (i, 0)),
    out_shape=jax.ShapeDtypeStruct((N, 1), jnp.float32),
    name="sage_recip_cnt",
)


def _layer_body(relu_res, p_ref, recip_ref, h_ref, wl_ref, bl_ref, wr_ref,
                out_ref):
    mean = (p_ref[0] + p_ref[1]) * recip_ref[...]
    acc = jnp.dot(mean, wl_ref[...], preferred_element_type=jnp.float32)
    acc = acc + jnp.dot(h_ref[...], wr_ref[...], preferred_element_type=jnp.float32)
    acc = acc + bl_ref[...]
    if relu_res:
        acc = jnp.maximum(acc, 0.0) + h_ref[...]
    out_ref[...] = acc


def _make_layer(relu_res):
    return pl.pallas_call(
        functools.partial(_layer_body, relu_res),
        grid=(pl.cdiv(N, _ROWS_BLK),),
        in_specs=[
            pl.BlockSpec((NC, _ROWS_BLK, D), lambda i: (0, i, 0)),
            pl.BlockSpec((_ROWS_BLK, 1), lambda i: (i, 0)),
            pl.BlockSpec((_ROWS_BLK, D), lambda i: (i, 0)),
            pl.BlockSpec((D, D), lambda i: (0, 0)),
            pl.BlockSpec((1, D), lambda i: (0, 0)),
            pl.BlockSpec((D, D), lambda i: (0, 0)),
        ],
        out_specs=pl.BlockSpec((_ROWS_BLK, D), lambda i: (i, 0)),
        out_shape=jax.ShapeDtypeStruct((N, D), jnp.float32),
        name="sage_dense" + ("_relu_res" if relu_res else ""),
    )


def kernel(x, edge_index, W0l, b0l, W0r, W1l, b1l, W1r, W2l, b2l, W2r):
    e = edge_index.shape[1]
    pad = EPAD - e
    src = jnp.concatenate([edge_index[0], jnp.zeros((pad,), jnp.int32)])
    dst = jnp.concatenate([edge_index[1], jnp.full((pad,), N, jnp.int32)])
    zrows = jnp.zeros((ROWS_PER_TILE, D), jnp.float32)
    ones_rows = jnp.ones((CHUNK, D), jnp.float32)

    agg_cnt = _make_agg(True)
    agg = _make_agg(False)
    layer_mid = _make_layer(True)
    layer_last = _make_layer(False)

    p0, cnt = agg_cnt(x, src, dst, zrows, ones_rows)
    recip = _recip_call(cnt)
    h = layer_mid(p0, recip, x, W0l, b0l.reshape(1, D), W0r)
    p1 = agg(h, src, dst, zrows)
    h = layer_mid(p1, recip, h, W1l, b1l.reshape(1, D), W1r)
    p2 = agg(h, src, dst, zrows)
    h = layer_last(p2, recip, h, W2l, b2l.reshape(1, D), W2r)
    return h

# --- scband reference (transcript-rebuilt; emitter-appended) ---
"""Pipeline reference for scband-advanced-gnn-85469849190873 (READ-ONLY COPY).

The authoritative reference and input builder live on the scoring server;
editing this copy changes nothing except your own understanding.
"""

import jax, jax.numpy as jnp
import numpy as np

N = 10000
E = 320000
D = 128


def setup_inputs(seed: int = 0) -> dict:
    key = jax.random.key(seed)
    ks = jax.random.split(key, 12)
    x = jax.random.normal(ks[0], (N, D), dtype=jnp.float32)
    edge_index = jax.random.randint(ks[1], (2, E), 0, N, dtype=jnp.int32)
    s = 1.0 / np.sqrt(D)
    inp = {"x": x, "edge_index": edge_index}
    for i in range(3):
        inp[f"W{i}l"] = jax.random.normal(ks[2 + 3 * i], (D, D), dtype=jnp.float32) * s
        inp[f"b{i}l"] = jnp.zeros((D,), dtype=jnp.float32)
        inp[f"W{i}r"] = jax.random.normal(ks[3 + 3 * i], (D, D), dtype=jnp.float32) * s
    return inp


def reference(x, edge_index, W0l, b0l, W0r, W1l, b1l, W1r, W2l, b2l, W2r):
    src = edge_index[0]
    dst = edge_index[1]

    def sage_conv(h, Wl, bl, Wr):
        # message: x_j gathered from source nodes
        msgs = jnp.take(h, src, axis=0)
        # mean aggregation at destination nodes (scatter-add + count)
        ssum = jax.ops.segment_sum(msgs, dst, num_segments=N)
        cnt = jax.ops.segment_sum(jnp.ones((E,), dtype=h.dtype), dst, num_segments=N)
        mean = ssum / jnp.maximum(cnt, 1.0)[:, None]
        # SAGEConv: lin_l(aggr) + lin_r(x)  (lin_l has bias, lin_r has no bias)
        return mean @ Wl + bl + h @ Wr

    params = [(W0l, b0l, W0r), (W1l, b1l, W1r), (W2l, b2l, W2r)]
    h0 = x
    h = x
    num_layers = 3
    for i in range(num_layers):
        h_in = h
        h = sage_conv(h, *params[i])
        if i < num_layers - 1:
            # norm_type='none' -> identity; dropout p=0 -> identity
            h = jax.nn.relu(h)
            res = h0 if i == 0 else h_in
            if res.shape == h.shape:
                h = h + res
    return h

if __name__ == "__main__":
    import jax
    _d = setup_inputs()
    print(jax.jit(kernel)(*tuple(_d.values())))

</pallas_src>

<mosaic_0001>
#map = affine_map<(d0, d1) -> (0, 0)>
#map1 = affine_map<(d0, d1) -> (0)>
#map2 = affine_map<(d0, d1) -> (0, 0, 0)>
module attributes {stable_mosaic.version = 14 : i64} {
  func.func @sage_edge_agg_cnt(%arg0: i32, %arg1: i32, %arg2: memref<10000x128xf32, #tpu.memory_space<hbm>>, %arg3: memref<323584xi32, #tpu.memory_space<hbm>>, %arg4: memref<323584xi32, #tpu.memory_space<hbm>>, %arg5: memref<632x128xf32, #tpu.memory_space<hbm>>, %arg6: memref<128x128xf32, #tpu.memory_space<hbm>>, %arg7: memref<2x10112x128xf32, #tpu.memory_space<hbm>>, %arg8: memref<2x10112x128xf32, #tpu.memory_space<hbm>>, %arg9: memref<128xi32, #tpu.memory_space<vmem>>, %arg10: memref<128xi32, #tpu.memory_space<vmem>>, %arg11: memref<128x128xf32, #tpu.memory_space<vmem>>, %arg12: memref<10112x128xf32, #tpu.memory_space<vmem_shared>>, %arg13: memref<!tpu.dma_semaphore, #tpu.memory_space<semaphore_mem>>) attributes {dimension_semantics = [#tpu.dimension_semantics<core_parallel>, #tpu.dimension_semantics<subcore_parallel>], iteration_bounds = array<i64: 2, 16>, scalar_prefetch = 0 : i64, scratch_operands = 5 : i64, tpu.core_type = #tpu.core_type<sc_vector_subcore>, window_params = [{transform_indices = #map}, {transform_indices = #map1}, {transform_indices = #map1}, {transform_indices = #map}, {transform_indices = #map}, {transform_indices = #map2}, {transform_indices = #map2}]} {
    %mul3A = arith.constant 632 : i32
    %mul3A_0 = arith.muli %arg1, %mul3A : i32
    %eq3A = arith.constant 0 : i32
    %eq3A_1 = arith.cmpi eq, %arg0, %eq3A : i32
    %mul3A_2 = arith.constant 12544 : i32
    %mul3A_3 = arith.muli %arg1, %mul3A_2 : i32
    %mul3A_4 = arith.constant 7680 : i32
    %mul3A_5 = arith.muli %arg1, %mul3A_4 : i32
    %add3A = arith.constant 200704 : i32
    %add3A_6 = arith.addi %add3A, %mul3A_5 : i32
    %select_n3A = arith.select %eq3A_1, %mul3A_3, %add3A_6 : i32
    %eq3A_7 = arith.constant 0 : i32
    %eq3A_8 = arith.cmpi eq, %arg0, %eq3A_7 : i32
    %jit3A = arith.constant 98 : i32
    %jit3A_9 = arith.constant 60 : i32
    %select_n3A_10 = arith.select %eq3A_8, %jit3A, %jit3A_9 : i32
    "tpu.region"() ({
      %run_scoped3A = tpu.sem_alloc : memref<!tpu.dma_semaphore, #tpu.memory_space<semaphore_mem>>
      %dma_start3A = arith.constant 0 : i32
      %dma_start3A_34 = tpu.memref_slice %arg12[%mul3A_0, %dma_start3A] : memref<10112x128xf32, #tpu.memory_space<vmem_shared>> -> memref<632x128xf32, #tpu.memory_space<vmem_shared>>
      tpu.enqueue_dma source(%arg5 : memref<632x128xf32, #tpu.memory_space<hbm>>) target(%dma_start3A_34 : memref<632x128xf32, #tpu.memory_space<vmem_shared>>) target_semaphore(%run_scoped3A : memref<!tpu.dma_semaphore, #tpu.memory_space<semaphore_mem>>)
      %dma_wait3A = arith.constant 0 : i32
      %dma_wait3A_35 = tpu.memref_slice %arg12[%mul3A_0, %dma_wait3A] : memref<10112x128xf32, #tpu.memory_space<vmem_shared>> -> memref<632x128xf32, #tpu.memory_space<vmem_shared>>
      tpu.wait_dma2 semaphore(%run_scoped3A : memref<!tpu.dma_semaphore, #tpu.memory_space<semaphore_mem>>) src(%arg5 : memref<632x128xf32, #tpu.memory_space<hbm>>) dst(%dma_wait3A_35 : memref<632x128xf32, #tpu.memory_space<vmem_shared>>)
      tpu.yield
    }) : () -> ()
    %barrier3A = arith.constant 0 : index
    tpu.barrier barrier_id(%barrier3A)
    %while3A = arith.constant 0 : i32
    %while3A_11 = arith.constant 0 : i32
    %while3A_12 = arith.subi %select_n3A_10, %while3A_11 : i32
    %while3A_13 = arith.addi %while3A_11, %while3A_12 : i32
    %while3A_14 = arith.constant 1 : i32
    %while3A_15 = arith.divsi %while3A_12, %while3A_14 : i32
    %while3A_16 = arith.muli %while3A_15, %while3A_14 : i32
    %while3A_17 = arith.addi %while3A_11, %while3A_16 : i32
    %while3A_18 = arith.constant 1 : i32
    scf.for %while3A_34 = %while3A_11 to %while3A_17 step %while3A_18  : i32 {
      %mul3A_35 = arith.constant 128 : i32
      %mul3A_36 = arith.muli %while3A_34, %mul3A_35 : i32
      %add3A_37 = arith.addi %select_n3A, %mul3A_36 : i32
      "tpu.region"() ({
        %run_scoped3A = tpu.sem_alloc : memref<!tpu.dma_semaphore, #tpu.memory_space<semaphore_mem>>
        %dma_start3A_42 = tpu.memref_slice %arg3[%add3A_37] : memref<323584xi32, #tpu.memory_space<hbm>> -> memref<128xi32, #tpu.memory_space<hbm>>
        %dma_start3A_43 = tpu.memref_slice %arg3[%add3A_37] : memref<323584xi32, #tpu.memory_space<hbm>> -> memref<128xi32, #tpu.memory_space<hbm>>
        tpu.enqueue_dma source(%dma_start3A_43 : memref<128xi32, #tpu.memory_space<hbm>>) target(%arg9 : memref<128xi32, #tpu.memory_space<vmem>>) target_semaphore(%run_scoped3A : memref<!tpu.dma_semaphore, #tpu.memory_space<semaphore_mem>>)
        %dma_wait3A_44 = tpu.memref_slice %arg3[%add3A_37] : memref<323584xi32, #tpu.memory_space<hbm>> -> memref<128xi32, #tpu.memory_space<hbm>>
        %dma_wait3A_45 = tpu.memref_slice %arg3[%add3A_37] : memref<323584xi32, #tpu.memory_space<hbm>> -> memref<128xi32, #tpu.memory_space<hbm>>
        tpu.wait_dma2 semaphore(%run_scoped3A : memref<!tpu.dma_semaphore, #tpu.memory_space<semaphore_mem>>) src(%dma_wait3A_45 : memref<128xi32, #tpu.memory_space<hbm>>) dst(%arg9 : memref<128xi32, #tpu.memory_space<vmem>>)
        tpu.yield
      }) : () -> ()
      "tpu.region"() ({
        %run_scoped3A = tpu.sem_alloc : memref<!tpu.dma_semaphore, #tpu.memory_space<semaphore_mem>>
        %dma_start3A_42 = tpu.memref_slice %arg4[%add3A_37] : memref<323584xi32, #tpu.memory_space<hbm>> -> memref<128xi32, #tpu.memory_space<hbm>>
        %dma_start3A_43 = tpu.memref_slice %arg4[%add3A_37] : memref<323584xi32, #tpu.memory_space<hbm>> -> memref<128xi32, #tpu.memory_space<hbm>>
        tpu.enqueue_dma source(%dma_start3A_43 : memref<128xi32, #tpu.memory_space<hbm>>) target(%arg10 : memref<128xi32, #tpu.memory_space<vmem>>) target_semaphore(%run_scoped3A : memref<!tpu.dma_semaphore, #tpu.memory_space<semaphore_mem>>)
        %dma_wait3A_44 = tpu.memref_slice %arg4[%add3A_37] : memref<323584xi32, #tpu.memory_space<hbm>> -> memref<128xi32, #tpu.memory_space<hbm>>
        %dma_wait3A_45 = tpu.memref_slice %arg4[%add3A_37] : memref<323584xi32, #tpu.memory_space<hbm>> -> memref<128xi32, #tpu.memory_space<hbm>>
        tpu.wait_dma2 semaphore(%run_scoped3A : memref<!tpu.dma_semaphore, #tpu.memory_space<semaphore_mem>>) src(%dma_wait3A_45 : memref<128xi32, #tpu.memory_space<hbm>>) dst(%arg10 : memref<128xi32, #tpu.memory_space<vmem>>)
        tpu.yield
      }) : () -> ()
      %dma_start3A = arith.constant 0 : i32
      %dma_start3A_38 = arith.constant 0 : i32
      %dma_start3A_39 = tpu.memref_slice %arg2[%dma_start3A, %dma_start3A_38] : memref<10000x128xf32, #tpu.memory_space<hbm>> -> memref<10000x128xf32, #tpu.memory_space<hbm>>
      tpu.enqueue_indirect_dma source(%dma_start3A_39 : memref<10000x128xf32, #tpu.memory_space<hbm>>) target(%arg11 : memref<128x128xf32, #tpu.memory_space<vmem>>) offsets(%arg9 : memref<128xi32, #tpu.memory_space<vmem>>) semaphore(%arg13 : memref<!tpu.dma_semaphore, #tpu.memory_space<semaphore_mem>>)
      %dma_wait3A = arith.constant 0 : i32
      %dma_wait3A_40 = arith.constant 0 : i32
      %dma_wait3A_41 = tpu.memref_slice %arg2[%dma_wait3A, %dma_wait3A_40] : memref<10000x128xf32, #tpu.memory_space<hbm>> -> memref<10000x128xf32, #tpu.memory_space<hbm>>
      tpu.wait_indirect_dma semaphore(%arg13 : memref<!tpu.dma_semaphore, #tpu.memory_space<semaphore_mem>>) src(%dma_wait3A_41 : memref<10000x128xf32, #tpu.memory_space<hbm>>) dst(%arg11 : memref<128x128xf32, #tpu.memory_space<vmem>>)
      "tpu.region"() ({
        %run_scoped3A = tpu.sem_alloc : memref<!tpu.dma_semaphore, #tpu.memory_space<semaphore_mem>>
        %dma_start3A_42 = arith.constant 0 : i32
        %dma_start3A_43 = arith.constant 0 : i32
        %dma_start3A_44 = tpu.memref_slice %arg12[%dma_start3A_42, %dma_start3A_43] : memref<10112x128xf32, #tpu.memory_space<vmem_shared>> -> memref<10112x128xf32, #tpu.memory_space<vmem_shared>>
        tpu.enqueue_indirect_dma source(%arg11 : memref<128x128xf32, #tpu.memory_space<vmem>>) target(%dma_start3A_44 : memref<10112x128xf32, #tpu.memory_space<vmem_shared>>) offsets(%arg10 : memref<128xi32, #tpu.memory_space<vmem>>) semaphore(%run_scoped3A : memref<!tpu.dma_semaphore, #tpu.memory_space<semaphore_mem>>) {add = true}
        %dma_wait3A_45 = arith.constant 0 : i32
        %dma_wait3A_46 = arith.constant 0 : i32
        %dma_wait3A_47 = tpu.memref_slice %arg12[%dma_wait3A_45, %dma_wait3A_46] : memref<10112x128xf32, #tpu.memory_space<vmem_shared>> -> memref<10112x128xf32, #tpu.memory_space<vmem_shared>>
        tpu.wait_indirect_dma semaphore(%run_scoped3A : memref<!tpu.dma_semaphore, #tpu.memory_space<semaphore_mem>>) src(%arg11 : memref<128x128xf32, #tpu.memory_space<vmem>>) dst(%dma_wait3A_47 : memref<10112x128xf32, #tpu.memory_space<vmem_shared>>)
        tpu.yield
      }) : () -> ()
    }
    %while3A_19 = arith.constant 1 : i32
    scf.for %while3A_34 = %while3A_17 to %while3A_13 step %while3A_19  : i32 {
      %mul3A_35 = arith.constant 128 : i32
      %mul3A_36 = arith.muli %while3A_34, %mul3A_35 : i32
      %add3A_37 = arith.addi %select_n3A, %mul3A_36 : i32
      "tpu.region"() ({
        %run_scoped3A = tpu.sem_alloc : memref<!tpu.dma_semaphore, #tpu.memory_space<semaphore_mem>>
        %dma_start3A_42 = tpu.memref_slice %arg3[%add3A_37] : memref<323584xi32, #tpu.memory_space<hbm>> -> memref<128xi32, #tpu.memory_space<hbm>>
        %dma_start3A_43 = tpu.memref_slice %arg3[%add3A_37] : memref<323584xi32, #tpu.memory_space<hbm>> -> memref<128xi32, #tpu.memory_space<hbm>>
        tpu.enqueue_dma source(%dma_start3A_43 : memref<128xi32, #tpu.memory_space<hbm>>) target(%arg9 : memref<128xi32, #tpu.memory_space<vmem>>) target_semaphore(%run_scoped3A : memref<!tpu.dma_semaphore, #tpu.memory_space<semaphore_mem>>)
        %dma_wait3A_44 = tpu.memref_slice %arg3[%add3A_37] : memref<323584xi32, #tpu.memory_space<hbm>> -> memref<128xi32, #tpu.memory_space<hbm>>
        %dma_wait3A_45 = tpu.memref_slice %arg3[%add3A_37] : memref<323584xi32, #tpu.memory_space<hbm>> -> memref<128xi32, #tpu.memory_space<hbm>>
        tpu.wait_dma2 semaphore(%run_scoped3A : memref<!tpu.dma_semaphore, #tpu.memory_space<semaphore_mem>>) src(%dma_wait3A_45 : memref<128xi32, #tpu.memory_space<hbm>>) dst(%arg9 : memref<128xi32, #tpu.memory_space<vmem>>)
        tpu.yield
      }) : () -> ()
      "tpu.region"() ({
        %run_scoped3A = tpu.sem_alloc : memref<!tpu.dma_semaphore, #tpu.memory_space<semaphore_mem>>
        %dma_start3A_42 = tpu.memref_slice %arg4[%add3A_37] : memref<323584xi32, #tpu.memory_space<hbm>> -> memref<128xi32, #tpu.memory_space<hbm>>
        %dma_start3A_43 = tpu.memref_slice %arg4[%add3A_37] : memref<323584xi32, #tpu.memory_space<hbm>> -> memref<128xi32, #tpu.memory_space<hbm>>
        tpu.enqueue_dma source(%dma_start3A_43 : memref<128xi32, #tpu.memory_space<hbm>>) target(%arg10 : memref<128xi32, #tpu.memory_space<vmem>>) target_semaphore(%run_scoped3A : memref<!tpu.dma_semaphore, #tpu.memory_space<semaphore_mem>>)
        %dma_wait3A_44 = tpu.memref_slice %arg4[%add3A_37] : memref<323584xi32, #tpu.memory_space<hbm>> -> memref<128xi32, #tpu.memory_space<hbm>>
        %dma_wait3A_45 = tpu.memref_slice %arg4[%add3A_37] : memref<323584xi32, #tpu.memory_space<hbm>> -> memref<128xi32, #tpu.memory_space<hbm>>
        tpu.wait_dma2 semaphore(%run_scoped3A : memref<!tpu.dma_semaphore, #tpu.memory_space<semaphore_mem>>) src(%dma_wait3A_45 : memref<128xi32, #tpu.memory_space<hbm>>) dst(%arg10 : memref<128xi32, #tpu.memory_space<vmem>>)
        tpu.yield
      }) : () -> ()
      %dma_start3A = arith.constant 0 : i32
      %dma_start3A_38 = arith.constant 0 : i32
      %dma_start3A_39 = tpu.memref_slice %arg2[%dma_start3A, %dma_start3A_38] : memref<10000x128xf32, #tpu.memory_space<hbm>> -> memref<10000x128xf32, #tpu.memory_space<hbm>>
      tpu.enqueue_indirect_dma source(%dma_start3A_39 : memref<10000x128xf32, #tpu.memory_space<hbm>>) target(%arg11 : memref<128x128xf32, #tpu.memory_space<vmem>>) offsets(%arg9 : memref<128xi32, #tpu.memory_space<vmem>>) semaphore(%arg13 : memref<!tpu.dma_semaphore, #tpu.memory_space<semaphore_mem>>)
      %dma_wait3A = arith.constant 0 : i32
      %dma_wait3A_40 = arith.constant 0 : i32
      %dma_wait3A_41 = tpu.memref_slice %arg2[%dma_wait3A, %dma_wait3A_40] : memref<10000x128xf32, #tpu.memory_space<hbm>> -> memref<10000x128xf32, #tpu.memory_space<hbm>>
      tpu.wait_indirect_dma semaphore(%arg13 : memref<!tpu.dma_semaphore, #tpu.memory_space<semaphore_mem>>) src(%dma_wait3A_41 : memref<10000x128xf32, #tpu.memory_space<hbm>>) dst(%arg11 : memref<128x128xf32, #tpu.memory_space<vmem>>)
      "tpu.region"() ({
        %run_scoped3A = tpu.sem_alloc : memref<!tpu.dma_semaphore, #tpu.memory_space<semaphore_mem>>
        %dma_start3A_42 = arith.constant 0 : i32
        %dma_start3A_43 = arith.constant 0 : i32
        %dma_start3A_44 = tpu.memref_slice %arg12[%dma_start3A_42, %dma_start3A_43] : memref<10112x128xf32, #tpu.memory_space<vmem_shared>> -> memref<10112x128xf32, #tpu.memory_space<vmem_shared>>
        tpu.enqueue_indirect_dma source(%arg11 : memref<128x128xf32, #tpu.memory_space<vmem>>) target(%dma_start3A_44 : memref<10112x128xf32, #tpu.memory_space<vmem_shared>>) offsets(%arg10 : memref<128xi32, #tpu.memory_space<vmem>>) semaphore(%run_scoped3A : memref<!tpu.dma_semaphore, #tpu.memory_space<semaphore_mem>>) {add = true}
        %dma_wait3A_45 = arith.constant 0 : i32
        %dma_wait3A_46 = arith.constant 0 : i32
        %dma_wait3A_47 = tpu.memref_slice %arg12[%dma_wait3A_45, %dma_wait3A_46] : memref<10112x128xf32, #tpu.memory_space<vmem_shared>> -> memref<10112x128xf32, #tpu.memory_space<vmem_shared>>
        tpu.wait_indirect_dma semaphore(%run_scoped3A : memref<!tpu.dma_semaphore, #tpu.memory_space<semaphore_mem>>) src(%arg11 : memref<128x128xf32, #tpu.memory_space<vmem>>) dst(%dma_wait3A_47 : memref<10112x128xf32, #tpu.memory_space<vmem_shared>>)
        tpu.yield
      }) : () -> ()
    }
    %barrier3A_20 = arith.constant 0 : index
    tpu.barrier barrier_id(%barrier3A_20)
    "tpu.region"() ({
      %run_scoped3A = tpu.sem_alloc : memref<!tpu.dma_semaphore, #tpu.memory_space<semaphore_mem>>
      %dma_start3A = arith.constant 0 : i32
      %dma_start3A_34 = tpu.memref_slice %arg7[%arg0, %mul3A_0, %dma_start3A] : memref<2x10112x128xf32, #tpu.memory_space<hbm>> -> memref<1x632x128xf32, #tpu.memory_space<hbm>>
      %dma_start3A_35 = tpu.memref_squeeze %dma_start3A_34 : memref<1x632x128xf32, #tpu.memory_space<hbm>> -> memref<632x128xf32, #tpu.memory_space<hbm>>
      %dma_start3A_36 = arith.constant 0 : i32
      %dma_start3A_37 = tpu.memref_slice %arg12[%mul3A_0, %dma_start3A_36] : memref<10112x128xf32, #tpu.memory_space<vmem_shared>> -> memref<632x128xf32, #tpu.memory_space<vmem_shared>>
      tpu.enqueue_dma source(%dma_start3A_37 : memref<632x128xf32, #tpu.memory_space<vmem_shared>>) target(%dma_start3A_35 : memref<632x128xf32, #tpu.memory_space<hbm>>) target_semaphore(%run_scoped3A : memref<!tpu.dma_semaphore, #tpu.memory_space<semaphore_mem>>)
      %dma_wait3A = arith.constant 0 : i32
      %dma_wait3A_38 = tpu.memref_slice %arg7[%arg0, %mul3A_0, %dma_wait3A] : memref<2x10112x128xf32, #tpu.memory_space<hbm>> -> memref<1x632x128xf32, #tpu.memory_space<hbm>>
      %dma_wait3A_39 = tpu.memref_squeeze %dma_wait3A_38 : memref<1x632x128xf32, #tpu.memory_space<hbm>> -> memref<632x128xf32, #tpu.memory_space<hbm>>
      %dma_wait3A_40 = arith.constant 0 : i32
      %dma_wait3A_41 = tpu.memref_slice %arg12[%mul3A_0, %dma_wait3A_40] : memref<10112x128xf32, #tpu.memory_space<vmem_shared>> -> memref<632x128xf32, #tpu.memory_space<vmem_shared>>
      tpu.wait_dma2 semaphore(%run_scoped3A : memref<!tpu.dma_semaphore, #tpu.memory_space<semaphore_mem>>) src(%dma_wait3A_41 : memref<632x128xf32, #tpu.memory_space<vmem_shared>>) dst(%dma_wait3A_39 : memref<632x128xf32, #tpu.memory_space<hbm>>)
      tpu.yield
    }) : () -> ()
    %barrier3A_21 = arith.constant 0 : index
    tpu.barrier barrier_id(%barrier3A_21)
    "tpu.region"() ({
      %run_scoped3A = tpu.sem_alloc : memref<!tpu.dma_semaphore, #tpu.memory_space<semaphore_mem>>
      %dma_start3A = arith.constant 0 : i32
      %dma_start3A_34 = tpu.memref_slice %arg12[%mul3A_0, %dma_start3A] : memref<10112x128xf32, #tpu.memory_space<vmem_shared>> -> memref<632x128xf32, #tpu.memory_space<vmem_shared>>
      tpu.enqueue_dma source(%arg5 : memref<632x128xf32, #tpu.memory_space<hbm>>) target(%dma_start3A_34 : memref<632x128xf32, #tpu.memory_space<vmem_shared>>) target_semaphore(%run_scoped3A : memref<!tpu.dma_semaphore, #tpu.memory_space<semaphore_mem>>)
      %dma_wait3A = arith.constant 0 : i32
      %dma_wait3A_35 = tpu.memref_slice %arg12[%mul3A_0, %dma_wait3A] : memref<10112x128xf32, #tpu.memory_space<vmem_shared>> -> memref<632x128xf32, #tpu.memory_space<vmem_shared>>
      tpu.wait_dma2 semaphore(%run_scoped3A : memref<!tpu.dma_semaphore, #tpu.memory_space<semaphore_mem>>) src(%arg5 : memref<632x128xf32, #tpu.memory_space<hbm>>) dst(%dma_wait3A_35 : memref<632x128xf32, #tpu.memory_space<vmem_shared>>)
      tpu.yield
    }) : () -> ()
    "tpu.region"() ({
      %run_scoped3A = tpu.sem_alloc : memref<!tpu.dma_semaphore, #tpu.memory_space<semaphore_mem>>
      tpu.enqueue_dma source(%arg6 : memref<128x128xf32, #tpu.memory_space<hbm>>) target(%arg11 : memref<128x128xf32, #tpu.memory_space<vmem>>) target_semaphore(%run_scoped3A : memref<!tpu.dma_semaphore, #tpu.memory_space<semaphore_mem>>)
      tpu.wait_dma2 semaphore(%run_scoped3A : memref<!tpu.dma_semaphore, #tpu.memory_space<semaphore_mem>>) src(%arg6 : memref<128x128xf32, #tpu.memory_space<hbm>>) dst(%arg11 : memref<128x128xf32, #tpu.memory_space<vmem>>)
      tpu.yield
    }) : () -> ()
    %barrier3A_22 = arith.constant 0 : index
    tpu.barrier barrier_id(%barrier3A_22)
    %while3A_23 = arith.constant 0 : i32
    %while3A_24 = arith.constant 0 : i32
    %while3A_25 = arith.subi %select_n3A_10, %while3A_24 : i32
    %while3A_26 = arith.addi %while3A_24, %while3A_25 : i32
    %while3A_27 = arith.constant 1 : i32
    %while3A_28 = arith.divsi %while3A_25, %while3A_27 : i32
    %while3A_29 = arith.muli %while3A_28, %while3A_27 : i32
    %while3A_30 = arith.addi %while3A_24, %while3A_29 : i32
    %while3A_31 = arith.constant 1 : i32
    scf.for %while3A_34 = %while3A_24 to %while3A_30 step %while3A_31  : i32 {
      %mul3A_35 = arith.constant 128 : i32
      %mul3A_36 = arith.muli %while3A_34, %mul3A_35 : i32
      %add3A_37 = arith.addi %select_n3A, %mul3A_36 : i32
      "tpu.region"() ({
        %run_scoped3A = tpu.sem_alloc : memref<!tpu.dma_semaphore, #tpu.memory_space<semaphore_mem>>
        %dma_start3A = tpu.memref_slice %arg4[%add3A_37] : memref<323584xi32, #tpu.memory_space<hbm>> -> memref<128xi32, #tpu.memory_space<hbm>>
        %dma_start3A_38 = tpu.memref_slice %arg4[%add3A_37] : memref<323584xi32, #tpu.memory_space<hbm>> -> memref<128xi32, #tpu.memory_space<hbm>>
        tpu.enqueue_dma source(%dma_start3A_38 : memref<128xi32, #tpu.memory_space<hbm>>) target(%arg10 : memref<128xi32, #tpu.memory_space<vmem>>) target_semaphore(%run_scoped3A : memref<!tpu.dma_semaphore, #tpu.memory_space<semaphore_mem>>)
        %dma_wait3A = tpu.memref_slice %arg4[%add3A_37] : memref<323584xi32, #tpu.memory_space<hbm>> -> memref<128xi32, #tpu.memory_space<hbm>>
        %dma_wait3A_39 = tpu.memref_slice %arg4[%add3A_37] : memref<323584xi32, #tpu.memory_space<hbm>> -> memref<128xi32, #tpu.memory_space<hbm>>
        tpu.wait_dma2 semaphore(%run_scoped3A : memref<!tpu.dma_semaphore, #tpu.memory_space<semaphore_mem>>) src(%dma_wait3A_39 : memref<128xi32, #tpu.memory_space<hbm>>) dst(%arg10 : memref<128xi32, #tpu.memory_space<vmem>>)
        tpu.yield
      }) : () -> ()
      "tpu.region"() ({
        %run_scoped3A = tpu.sem_alloc : memref<!tpu.dma_semaphore, #tpu.memory_space<semaphore_mem>>
        %dma_start3A = arith.constant 0 : i32
        %dma_start3A_38 = arith.constant 0 : i32
        %dma_start3A_39 = tpu.memref_slice %arg12[%dma_start3A, %dma_start3A_38] : memref<10112x128xf32, #tpu.memory_space<vmem_shared>> -> memref<10112x128xf32, #tpu.memory_space<vmem_shared>>
        tpu.enqueue_indirect_dma source(%arg11 : memref<128x128xf32, #tpu.memory_space<vmem>>) target(%dma_start3A_39 : memref<10112x128xf32, #tpu.memory_space<vmem_shared>>) offsets(%arg10 : memref<128xi32, #tpu.memory_space<vmem>>) semaphore(%run_scoped3A : memref<!tpu.dma_semaphore, #tpu.memory_space<semaphore_mem>>) {add = true}
        %dma_wait3A = arith.constant 0 : i32
        %dma_wait3A_40 = arith.constant 0 : i32
        %dma_wait3A_41 = tpu.memref_slice %arg12[%dma_wait3A, %dma_wait3A_40] : memref<10112x128xf32, #tpu.memory_space<vmem_shared>> -> memref<10112x128xf32, #tpu.memory_space<vmem_shared>>
        tpu.wait_indirect_dma semaphore(%run_scoped3A : memref<!tpu.dma_semaphore, #tpu.memory_space<semaphore_mem>>) src(%arg11 : memref<128x128xf32, #tpu.memory_space<vmem>>) dst(%dma_wait3A_41 : memref<10112x128xf32, #tpu.memory_space<vmem_shared>>)
        tpu.yield
      }) : () -> ()
    }
    %while3A_32 = arith.constant 1 : i32
    scf.for %while3A_34 = %while3A_30 to %while3A_26 step %while3A_32  : i32 {
      %mul3A_35 = arith.constant 128 : i32
      %mul3A_36 = arith.muli %while3A_34, %mul3A_35 : i32
      %add3A_37 = arith.addi %select_n3A, %mul3A_36 : i32
      "tpu.region"() ({
        %run_scoped3A = tpu.sem_alloc : memref<!tpu.dma_semaphore, #tpu.memory_space<semaphore_mem>>
        %dma_start3A = tpu.memref_slice %arg4[%add3A_37] : memref<323584xi32, #tpu.memory_space<hbm>> -> memref<128xi32, #tpu.memory_space<hbm>>
        %dma_start3A_38 = tpu.memref_slice %arg4[%add3A_37] : memref<323584xi32, #tpu.memory_space<hbm>> -> memref<128xi32, #tpu.memory_space<hbm>>
        tpu.enqueue_dma source(%dma_start3A_38 : memref<128xi32, #tpu.memory_space<hbm>>) target(%arg10 : memref<128xi32, #tpu.memory_space<vmem>>) target_semaphore(%run_scoped3A : memref<!tpu.dma_semaphore, #tpu.memory_space<semaphore_mem>>)
        %dma_wait3A = tpu.memref_slice %arg4[%add3A_37] : memref<323584xi32, #tpu.memory_space<hbm>> -> memref<128xi32, #tpu.memory_space<hbm>>
        %dma_wait3A_39 = tpu.memref_slice %arg4[%add3A_37] : memref<323584xi32, #tpu.memory_space<hbm>> -> memref<128xi32, #tpu.memory_space<hbm>>
        tpu.wait_dma2 semaphore(%run_scoped3A : memref<!tpu.dma_semaphore, #tpu.memory_space<semaphore_mem>>) src(%dma_wait3A_39 : memref<128xi32, #tpu.memory_space<hbm>>) dst(%arg10 : memref<128xi32, #tpu.memory_space<vmem>>)
        tpu.yield
      }) : () -> ()
      "tpu.region"() ({
        %run_scoped3A = tpu.sem_alloc : memref<!tpu.dma_semaphore, #tpu.memory_space<semaphore_mem>>
        %dma_start3A = arith.constant 0 : i32
        %dma_start3A_38 = arith.constant 0 : i32
        %dma_start3A_39 = tpu.memref_slice %arg12[%dma_start3A, %dma_start3A_38] : memref<10112x128xf32, #tpu.memory_space<vmem_shared>> -> memref<10112x128xf32, #tpu.memory_space<vmem_shared>>
        tpu.enqueue_indirect_dma source(%arg11 : memref<128x128xf32, #tpu.memory_space<vmem>>) target(%dma_start3A_39 : memref<10112x128xf32, #tpu.memory_space<vmem_shared>>) offsets(%arg10 : memref<128xi32, #tpu.memory_space<vmem>>) semaphore(%run_scoped3A : memref<!tpu.dma_semaphore, #tpu.memory_space<semaphore_mem>>) {add = true}
        %dma_wait3A = arith.constant 0 : i32
        %dma_wait3A_40 = arith.constant 0 : i32
        %dma_wait3A_41 = tpu.memref_slice %arg12[%dma_wait3A, %dma_wait3A_40] : memref<10112x128xf32, #tpu.memory_space<vmem_shared>> -> memref<10112x128xf32, #tpu.memory_space<vmem_shared>>
        tpu.wait_indirect_dma semaphore(%run_scoped3A : memref<!tpu.dma_semaphore, #tpu.memory_space<semaphore_mem>>) src(%arg11 : memref<128x128xf32, #tpu.memory_space<vmem>>) dst(%dma_wait3A_41 : memref<10112x128xf32, #tpu.memory_space<vmem_shared>>)
        tpu.yield
      }) : () -> ()
    }
    %barrier3A_33 = arith.constant 0 : index
    tpu.barrier barrier_id(%barrier3A_33)
    "tpu.region"() ({
      %run_scoped3A = tpu.sem_alloc : memref<!tpu.dma_semaphore, #tpu.memory_space<semaphore_mem>>
      %dma_start3A = arith.constant 0 : i32
      %dma_start3A_34 = tpu.memref_slice %arg8[%arg0, %mul3A_0, %dma_start3A] : memref<2x10112x128xf32, #tpu.memory_space<hbm>> -> memref<1x632x128xf32, #tpu.memory_space<hbm>>
      %dma_start3A_35 = tpu.memref_squeeze %dma_start3A_34 : memref<1x632x128xf32, #tpu.memory_space<hbm>> -> memref<632x128xf32, #tpu.memory_space<hbm>>
      %dma_start3A_36 = arith.constant 0 : i32
      %dma_start3A_37 = tpu.memref_slice %arg12[%mul3A_0, %dma_start3A_36] : memref<10112x128xf32, #tpu.memory_space<vmem_shared>> -> memref<632x128xf32, #tpu.memory_space<vmem_shared>>
      tpu.enqueue_dma source(%dma_start3A_37 : memref<632x128xf32, #tpu.memory_space<vmem_shared>>) target(%dma_start3A_35 : memref<632x128xf32, #tpu.memory_space<hbm>>) target_semaphore(%run_scoped3A : memref<!tpu.dma_semaphore, #tpu.memory_space<semaphore_mem>>)
      %dma_wait3A = arith.constant 0 : i32
      %dma_wait3A_38 = tpu.memref_slice %arg8[%arg0, %mul3A_0, %dma_wait3A] : memref<2x10112x128xf32, #tpu.memory_space<hbm>> -> memref<1x632x128xf32, #tpu.memory_space<hbm>>
      %dma_wait3A_39 = tpu.memref_squeeze %dma_wait3A_38 : memref<1x632x128xf32, #tpu.memory_space<hbm>> -> memref<632x128xf32, #tpu.memory_space<hbm>>
      %dma_wait3A_40 = arith.constant 0 : i32
      %dma_wait3A_41 = tpu.memref_slice %arg12[%mul3A_0, %dma_wait3A_40] : memref<10112x128xf32, #tpu.memory_space<vmem_shared>> -> memref<632x128xf32, #tpu.memory_space<vmem_shared>>
      tpu.wait_dma2 semaphore(%run_scoped3A : memref<!tpu.dma_semaphore, #tpu.memory_space<semaphore_mem>>) src(%dma_wait3A_41 : memref<632x128xf32, #tpu.memory_space<vmem_shared>>) dst(%dma_wait3A_39 : memref<632x128xf32, #tpu.memory_space<hbm>>)
      tpu.yield
    }) : () -> ()
    return
  }
}

#map = affine_map<(d0, d1) -> (0, 0)>
#map1 = affine_map<(d0, d1) -> (0)>
#map2 = affine_map<(d0, d1) -> (0, 0, 0)>
module attributes {stable_mosaic.version = 14 : i64} {
  func.func @sage_edge_agg(%arg0: i32, %arg1: i32, %arg2: memref<10000x128xf32, #tpu.memory_space<hbm>>, %arg3: memref<323584xi32, #tpu.memory_space<hbm>>, %arg4: memref<323584xi32, #tpu.memory_space<hbm>>, %arg5: memref<632x128xf32, #tpu.memory_space<hbm>>, %arg6: memref<2x10112x128xf32, #tpu.memory_space<hbm>>, %arg7: memref<128xi32, #tpu.memory_space<vmem>>, %arg8: memref<128xi32, #tpu.memory_space<vmem>>, %arg9: memref<128x128xf32, #tpu.memory_space<vmem>>, %arg10: memref<10112x128xf32, #tpu.memory_space<vmem_shared>>, %arg11: memref<!tpu.dma_semaphore, #tpu.memory_space<semaphore_mem>>) attributes {dimension_semantics = [#tpu.dimension_semantics<core_parallel>, #tpu.dimension_semantics<subcore_parallel>], iteration_bounds = array<i64: 2, 16>, scalar_prefetch = 0 : i64, scratch_operands = 5 : i64, tpu.core_type = #tpu.core_type<sc_vector_subcore>, window_params = [{transform_indices = #map}, {transform_indices = #map1}, {transform_indices = #map1}, {transform_indices = #map}, {transform_indices = #map2}]} {
    %mul3A = arith.constant 632 : i32
    %mul3A_0 = arith.muli %arg1, %mul3A : i32
    %eq3A = arith.constant 0 : i32
    %eq3A_1 = arith.cmpi eq, %arg0, %eq3A : i32
    %mul3A_2 = arith.constant 12544 : i32
    %mul3A_3 = arith.muli %arg1, %mul3A_2 : i32
    %mul3A_4 = arith.constant 7680 : i32
    %mul3A_5 = arith.muli %arg1, %mul3A_4 : i32
    %add3A = arith.constant 200704 : i32
    %add3A_6 = arith.addi %add3A, %mul3A_5 : i32
    %select_n3A = arith.select %eq3A_1, %mul3A_3, %add3A_6 : i32
    %eq3A_7 = arith.constant 0 : i32
    %eq3A_8 = arith.cmpi eq, %arg0, %eq3A_7 : i32
    %jit3A = arith.constant 98 : i32
    %jit3A_9 = arith.constant 60 : i32
    %select_n3A_10 = arith.select %eq3A_8, %jit3A, %jit3A_9 : i32
    "tpu.region"() ({
      %run_scoped3A = tpu.sem_alloc : memref<!tpu.dma_semaphore, #tpu.memory_space<semaphore_mem>>
      %dma_start3A = arith.constant 0 : i32
      %dma_start3A_21 = tpu.memref_slice %arg10[%mul3A_0, %dma_start3A] : memref<10112x128xf32, #tpu.memory_space<vmem_shared>> -> memref<632x128xf32, #tpu.memory_space<vmem_shared>>
      tpu.enqueue_dma source(%arg5 : memref<632x128xf32, #tpu.memory_space<hbm>>) target(%dma_start3A_21 : memref<632x128xf32, #tpu.memory_space<vmem_shared>>) target_semaphore(%run_scoped3A : memref<!tpu.dma_semaphore, #tpu.memory_space<semaphore_mem>>)
      %dma_wait3A = arith.constant 0 : i32
      %dma_wait3A_22 = tpu.memref_slice %arg10[%mul3A_0, %dma_wait3A] : memref<10112x128xf32, #tpu.memory_space<vmem_shared>> -> memref<632x128xf32, #tpu.memory_space<vmem_shared>>
      tpu.wait_dma2 semaphore(%run_scoped3A : memref<!tpu.dma_semaphore, #tpu.memory_space<semaphore_mem>>) src(%arg5 : memref<632x128xf32, #tpu.memory_space<hbm>>) dst(%dma_wait3A_22 : memref<632x128xf32, #tpu.memory_space<vmem_shared>>)
      tpu.yield
    }) : () -> ()
    %barrier3A = arith.constant 0 : index
    tpu.barrier barrier_id(%barrier3A)
    %while3A = arith.constant 0 : i32
    %while3A_11 = arith.constant 0 : i32
    %while3A_12 = arith.subi %select_n3A_10, %while3A_11 : i32
    %while3A_13 = arith.addi %while3A_11, %while3A_12 : i32
    %while3A_14 = arith.constant 1 : i32
    %while3A_15 = arith.divsi %while3A_12, %while3A_14 : i32
    %while3A_16 = arith.muli %while3A_15, %while3A_14 : i32
    %while3A_17 = arith.addi %while3A_11, %while3A_16 : i32
    %while3A_18 = arith.constant 1 : i32
    scf.for %while3A_21 = %while3A_11 to %while3A_17 step %while3A_18  : i32 {
      %mul3A_22 = arith.constant 128 : i32
      %mul3A_23 = arith.muli %while3A_21, %mul3A_22 : i32
      %add3A_24 = arith.addi %select_n3A, %mul3A_23 : i32
      "tpu.region"() ({
        %run_scoped3A = tpu.sem_alloc : memref<!tpu.dma_semaphore, #tpu.memory_space<semaphore_mem>>
        %dma_start3A_29 = tpu.memref_slice %arg3[%add3A_24] : memref<323584xi32, #tpu.memory_space<hbm>> -> memref<128xi32, #tpu.memory_space<hbm>>
        %dma_start3A_30 = tpu.memref_slice %arg3[%add3A_24] : memref<323584xi32, #tpu.memory_space<hbm>> -> memref<128xi32, #tpu.memory_space<hbm>>
        tpu.enqueue_dma source(%dma_start3A_30 : memref<128xi32, #tpu.memory_space<hbm>>) target(%arg7 : memref<128xi32, #tpu.memory_space<vmem>>) target_semaphore(%run_scoped3A : memref<!tpu.dma_semaphore, #tpu.memory_space<semaphore_mem>>)
        %dma_wait3A_31 = tpu.memref_slice %arg3[%add3A_24] : memref<323584xi32, #tpu.memory_space<hbm>> -> memref<128xi32, #tpu.memory_space<hbm>>
        %dma_wait3A_32 = tpu.memref_slice %arg3[%add3A_24] : memref<323584xi32, #tpu.memory_space<hbm>> -> memref<128xi32, #tpu.memory_space<hbm>>
        tpu.wait_dma2 semaphore(%run_scoped3A : memref<!tpu.dma_semaphore, #tpu.memory_space<semaphore_mem>>) src(%dma_wait3A_32 : memref<128xi32, #tpu.memory_space<hbm>>) dst(%arg7 : memref<128xi32, #tpu.memory_space<vmem>>)
        tpu.yield
      }) : () -> ()
      "tpu.region"() ({
        %run_scoped3A = tpu.sem_alloc : memref<!tpu.dma_semaphore, #tpu.memory_space<semaphore_mem>>
        %dma_start3A_29 = tpu.memref_slice %arg4[%add3A_24] : memref<323584xi32, #tpu.memory_space<hbm>> -> memref<128xi32, #tpu.memory_space<hbm>>
        %dma_start3A_30 = tpu.memref_slice %arg4[%add3A_24] : memref<323584xi32, #tpu.memory_space<hbm>> -> memref<128xi32, #tpu.memory_space<hbm>>
        tpu.enqueue_dma source(%dma_start3A_30 : memref<128xi32, #tpu.memory_space<hbm>>) target(%arg8 : memref<128xi32, #tpu.memory_space<vmem>>) target_semaphore(%run_scoped3A : memref<!tpu.dma_semaphore, #tpu.memory_space<semaphore_mem>>)
        %dma_wait3A_31 = tpu.memref_slice %arg4[%add3A_24] : memref<323584xi32, #tpu.memory_space<hbm>> -> memref<128xi32, #tpu.memory_space<hbm>>
        %dma_wait3A_32 = tpu.memref_slice %arg4[%add3A_24] : memref<323584xi32, #tpu.memory_space<hbm>> -> memref<128xi32, #tpu.memory_space<hbm>>
        tpu.wait_dma2 semaphore(%run_scoped3A : memref<!tpu.dma_semaphore, #tpu.memory_space<semaphore_mem>>) src(%dma_wait3A_32 : memref<128xi32, #tpu.memory_space<hbm>>) dst(%arg8 : memref<128xi32, #tpu.memory_space<vmem>>)
        tpu.yield
      }) : () -> ()
      %dma_start3A = arith.constant 0 : i32
      %dma_start3A_25 = arith.constant 0 : i32
      %dma_start3A_26 = tpu.memref_slice %arg2[%dma_start3A, %dma_start3A_25] : memref<10000x128xf32, #tpu.memory_space<hbm>> -> memref<10000x128xf32, #tpu.memory_space<hbm>>
      tpu.enqueue_indirect_dma source(%dma_start3A_26 : memref<10000x128xf32, #tpu.memory_space<hbm>>) target(%arg9 : memref<128x128xf32, #tpu.memory_space<vmem>>) offsets(%arg7 : memref<128xi32, #tpu.memory_space<vmem>>) semaphore(%arg11 : memref<!tpu.dma_semaphore, #tpu.memory_space<semaphore_mem>>)
      %dma_wait3A = arith.constant 0 : i32
      %dma_wait3A_27 = arith.constant 0 : i32
      %dma_wait3A_28 = tpu.memref_slice %arg2[%dma_wait3A, %dma_wait3A_27] : memref<10000x128xf32, #tpu.memory_space<hbm>> -> memref<10000x128xf32, #tpu.memory_space<hbm>>
      tpu.wait_indirect_dma semaphore(%arg11 : memref<!tpu.dma_semaphore, #tpu.memory_space<semaphore_mem>>) src(%dma_wait3A_28 : memref<10000x128xf32, #tpu.memory_space<hbm>>) dst(%arg9 : memref<128x128xf32, #tpu.memory_space<vmem>>)
      "tpu.region"() ({
        %run_scoped3A = tpu.sem_alloc : memref<!tpu.dma_semaphore, #tpu.memory_space<semaphore_mem>>
        %dma_start3A_29 = arith.constant 0 : i32
        %dma_start3A_30 = arith.constant 0 : i32
        %dma_start3A_31 = tpu.memref_slice %arg10[%dma_start3A_29, %dma_start3A_30] : memref<10112x128xf32, #tpu.memory_space<vmem_shared>> -> memref<10112x128xf32, #tpu.memory_space<vmem_shared>>
        tpu.enqueue_indirect_dma source(%arg9 : memref<128x128xf32, #tpu.memory_space<vmem>>) target(%dma_start3A_31 : memref<10112x128xf32, #tpu.memory_space<vmem_shared>>) offsets(%arg8 : memref<128xi32, #tpu.memory_space<vmem>>) semaphore(%run_scoped3A : memref<!tpu.dma_semaphore, #tpu.memory_space<semaphore_mem>>) {add = true}
        %dma_wait3A_32 = arith.constant 0 : i32
        %dma_wait3A_33 = arith.constant 0 : i32
        %dma_wait3A_34 = tpu.memref_slice %arg10[%dma_wait3A_32, %dma_wait3A_33] : memref<10112x128xf32, #tpu.memory_space<vmem_shared>> -> memref<10112x128xf32, #tpu.memory_space<vmem_shared>>
        tpu.wait_indirect_dma semaphore(%run_scoped3A : memref<!tpu.dma_semaphore, #tpu.memory_space<semaphore_mem>>) src(%arg9 : memref<128x128xf32, #tpu.memory_space<vmem>>) dst(%dma_wait3A_34 : memref<10112x128xf32, #tpu.memory_space<vmem_shared>>)
        tpu.yield
      }) : () -> ()
    }
    %while3A_19 = arith.constant 1 : i32
    scf.for %while3A_21 = %while3A_17 to %while3A_13 step %while3A_19  : i32 {
      %mul3A_22 = arith.constant 128 : i32
      %mul3A_23 = arith.muli %while3A_21, %mul3A_22 : i32
      %add3A_24 = arith.addi %select_n3A, %mul3A_23 : i32
      "tpu.region"() ({
        %run_scoped3A = tpu.sem_alloc : memref<!tpu.dma_semaphore, #tpu.memory_space<semaphore_mem>>
        %dma_start3A_29 = tpu.memref_slice %arg3[%add3A_24] : memref<323584xi32, #tpu.memory_space<hbm>> -> memref<128xi32, #tpu.memory_space<hbm>>
        %dma_start3A_30 = tpu.memref_slice %arg3[%add3A_24] : memref<323584xi32, #tpu.memory_space<hbm>> -> memref<128xi32, #tpu.memory_space<hbm>>
        tpu.enqueue_dma source(%dma_start3A_30 : memref<128xi32, #tpu.memory_space<hbm>>) target(%arg7 : memref<128xi32, #tpu.memory_space<vmem>>) target_semaphore(%run_scoped3A : memref<!tpu.dma_semaphore, #tpu.memory_space<semaphore_mem>>)
        %dma_wait3A_31 = tpu.memref_slice %arg3[%add3A_24] : memref<323584xi32, #tpu.memory_space<hbm>> -> memref<128xi32, #tpu.memory_space<hbm>>
        %dma_wait3A_32 = tpu.memref_slice %arg3[%add3A_24] : memref<323584xi32, #tpu.memory_space<hbm>> -> memref<128xi32, #tpu.memory_space<hbm>>
        tpu.wait_dma2 semaphore(%run_scoped3A : memref<!tpu.dma_semaphore, #tpu.memory_space<semaphore_mem>>) src(%dma_wait3A_32 : memref<128xi32, #tpu.memory_space<hbm>>) dst(%arg7 : memref<128xi32, #tpu.memory_space<vmem>>)
        tpu.yield
      }) : () -> ()
      "tpu.region"() ({
        %run_scoped3A = tpu.sem_alloc : memref<!tpu.dma_semaphore, #tpu.memory_space<semaphore_mem>>
        %dma_start3A_29 = tpu.memref_slice %arg4[%add3A_24] : memref<323584xi32, #tpu.memory_space<hbm>> -> memref<128xi32, #tpu.memory_space<hbm>>
        %dma_start3A_30 = tpu.memref_slice %arg4[%add3A_24] : memref<323584xi32, #tpu.memory_space<hbm>> -> memref<128xi32, #tpu.memory_space<hbm>>
        tpu.enqueue_dma source(%dma_start3A_30 : memref<128xi32, #tpu.memory_space<hbm>>) target(%arg8 : memref<128xi32, #tpu.memory_space<vmem>>) target_semaphore(%run_scoped3A : memref<!tpu.dma_semaphore, #tpu.memory_space<semaphore_mem>>)
        %dma_wait3A_31 = tpu.memref_slice %arg4[%add3A_24] : memref<323584xi32, #tpu.memory_space<hbm>> -> memref<128xi32, #tpu.memory_space<hbm>>
        %dma_wait3A_32 = tpu.memref_slice %arg4[%add3A_24] : memref<323584xi32, #tpu.memory_space<hbm>> -> memref<128xi32, #tpu.memory_space<hbm>>
        tpu.wait_dma2 semaphore(%run_scoped3A : memref<!tpu.dma_semaphore, #tpu.memory_space<semaphore_mem>>) src(%dma_wait3A_32 : memref<128xi32, #tpu.memory_space<hbm>>) dst(%arg8 : memref<128xi32, #tpu.memory_space<vmem>>)
        tpu.yield
      }) : () -> ()
      %dma_start3A = arith.constant 0 : i32
      %dma_start3A_25 = arith.constant 0 : i32
      %dma_start3A_26 = tpu.memref_slice %arg2[%dma_start3A, %dma_start3A_25] : memref<10000x128xf32, #tpu.memory_space<hbm>> -> memref<10000x128xf32, #tpu.memory_space<hbm>>
      tpu.enqueue_indirect_dma source(%dma_start3A_26 : memref<10000x128xf32, #tpu.memory_space<hbm>>) target(%arg9 : memref<128x128xf32, #tpu.memory_space<vmem>>) offsets(%arg7 : memref<128xi32, #tpu.memory_space<vmem>>) semaphore(%arg11 : memref<!tpu.dma_semaphore, #tpu.memory_space<semaphore_mem>>)
      %dma_wait3A = arith.constant 0 : i32
      %dma_wait3A_27 = arith.constant 0 : i32
      %dma_wait3A_28 = tpu.memref_slice %arg2[%dma_wait3A, %dma_wait3A_27] : memref<10000x128xf32, #tpu.memory_space<hbm>> -> memref<10000x128xf32, #tpu.memory_space<hbm>>
      tpu.wait_indirect_dma semaphore(%arg11 : memref<!tpu.dma_semaphore, #tpu.memory_space<semaphore_mem>>) src(%dma_wait3A_28 : memref<10000x128xf32, #tpu.memory_space<hbm>>) dst(%arg9 : memref<128x128xf32, #tpu.memory_space<vmem>>)
      "tpu.region"() ({
        %run_scoped3A = tpu.sem_alloc : memref<!tpu.dma_semaphore, #tpu.memory_space<semaphore_mem>>
        %dma_start3A_29 = arith.constant 0 : i32
        %dma_start3A_30 = arith.constant 0 : i32
        %dma_start3A_31 = tpu.memref_slice %arg10[%dma_start3A_29, %dma_start3A_30] : memref<10112x128xf32, #tpu.memory_space<vmem_shared>> -> memref<10112x128xf32, #tpu.memory_space<vmem_shared>>
        tpu.enqueue_indirect_dma source(%arg9 : memref<128x128xf32, #tpu.memory_space<vmem>>) target(%dma_start3A_31 : memref<10112x128xf32, #tpu.memory_space<vmem_shared>>) offsets(%arg8 : memref<128xi32, #tpu.memory_space<vmem>>) semaphore(%run_scoped3A : memref<!tpu.dma_semaphore, #tpu.memory_space<semaphore_mem>>) {add = true}
        %dma_wait3A_32 = arith.constant 0 : i32
        %dma_wait3A_33 = arith.constant 0 : i32
        %dma_wait3A_34 = tpu.memref_slice %arg10[%dma_wait3A_32, %dma_wait3A_33] : memref<10112x128xf32, #tpu.memory_space<vmem_shared>> -> memref<10112x128xf32, #tpu.memory_space<vmem_shared>>
        tpu.wait_indirect_dma semaphore(%run_scoped3A : memref<!tpu.dma_semaphore, #tpu.memory_space<semaphore_mem>>) src(%arg9 : memref<128x128xf32, #tpu.memory_space<vmem>>) dst(%dma_wait3A_34 : memref<10112x128xf32, #tpu.memory_space<vmem_shared>>)
        tpu.yield
      }) : () -> ()
    }
    %barrier3A_20 = arith.constant 0 : index
    tpu.barrier barrier_id(%barrier3A_20)
    "tpu.region"() ({
      %run_scoped3A = tpu.sem_alloc : memref<!tpu.dma_semaphore, #tpu.memory_space<semaphore_mem>>
      %dma_start3A = arith.constant 0 : i32
      %dma_start3A_21 = tpu.memref_slice %arg6[%arg0, %mul3A_0, %dma_start3A] : memref<2x10112x128xf32, #tpu.memory_space<hbm>> -> memref<1x632x128xf32, #tpu.memory_space<hbm>>
      %dma_start3A_22 = tpu.memref_squeeze %dma_start3A_21 : memref<1x632x128xf32, #tpu.memory_space<hbm>> -> memref<632x128xf32, #tpu.memory_space<hbm>>
      %dma_start3A_23 = arith.constant 0 : i32
      %dma_start3A_24 = tpu.memref_slice %arg10[%mul3A_0, %dma_start3A_23] : memref<10112x128xf32, #tpu.memory_space<vmem_shared>> -> memref<632x128xf32, #tpu.memory_space<vmem_shared>>
      tpu.enqueue_dma source(%dma_start3A_24 : memref<632x128xf32, #tpu.memory_space<vmem_shared>>) target(%dma_start3A_22 : memref<632x128xf32, #tpu.memory_space<hbm>>) target_semaphore(%run_scoped3A : memref<!tpu.dma_semaphore, #tpu.memory_space<semaphore_mem>>)
      %dma_wait3A = arith.constant 0 : i32
      %dma_wait3A_25 = tpu.memref_slice %arg6[%arg0, %mul3A_0, %dma_wait3A] : memref<2x10112x128xf32, #tpu.memory_space<hbm>> -> memref<1x632x128xf32, #tpu.memory_space<hbm>>
      %dma_wait3A_26 = tpu.memref_squeeze %dma_wait3A_25 : memref<1x632x128xf32, #tpu.memory_space<hbm>> -> memref<632x128xf32, #tpu.memory_space<hbm>>
      %dma_wait3A_27 = arith.constant 0 : i32
      %dma_wait3A_28 = tpu.memref_slice %arg10[%mul3A_0, %dma_wait3A_27] : memref<10112x128xf32, #tpu.memory_space<vmem_shared>> -> memref<632x128xf32, #tpu.memory_space<vmem_shared>>
      tpu.wait_dma2 semaphore(%run_scoped3A : memref<!tpu.dma_semaphore, #tpu.memory_space<semaphore_mem>>) src(%dma_wait3A_28 : memref<632x128xf32, #tpu.memory_space<vmem_shared>>) dst(%dma_wait3A_26 : memref<632x128xf32, #tpu.memory_space<hbm>>)
      tpu.yield
    }) : () -> ()
    return
  }
}

#map = affine_map<(d0, d1) -> (0, 0)>
#map1 = affine_map<(d0, d1) -> (0)>
#map2 = affine_map<(d0, d1) -> (0, 0, 0)>
module attributes {stable_mosaic.version = 14 : i64} {
  func.func @sage_edge_agg(%arg0: i32, %arg1: i32, %arg2: memref<10000x128xf32, #tpu.memory_space<hbm>>, %arg3: memref<323584xi32, #tpu.memory_space<hbm>>, %arg4: memref<323584xi32, #tpu.memory_space<hbm>>, %arg5: memref<632x128xf32, #tpu.memory_space<hbm>>, %arg6: memref<2x10112x128xf32, #tpu.memory_space<hbm>>, %arg7: memref<128xi32, #tpu.memory_space<vmem>>, %arg8: memref<128xi32, #tpu.memory_space<vmem>>, %arg9: memref<128x128xf32, #tpu.memory_space<vmem>>, %arg10: memref<10112x128xf32, #tpu.memory_space<vmem_shared>>, %arg11: memref<!tpu.dma_semaphore, #tpu.memory_space<semaphore_mem>>) attributes {dimension_semantics = [#tpu.dimension_semantics<core_parallel>, #tpu.dimension_semantics<subcore_parallel>], iteration_bounds = array<i64: 2, 16>, scalar_prefetch = 0 : i64, scratch_operands = 5 : i64, tpu.core_type = #tpu.core_type<sc_vector_subcore>, window_params = [{transform_indices = #map}, {transform_indices = #map1}, {transform_indices = #map1}, {transform_indices = #map}, {transform_indices = #map2}]} {
    %mul3A = arith.constant 632 : i32
    %mul3A_0 = arith.muli %arg1, %mul3A : i32
    %eq3A = arith.constant 0 : i32
    %eq3A_1 = arith.cmpi eq, %arg0, %eq3A : i32
    %mul3A_2 = arith.constant 12544 : i32
    %mul3A_3 = arith.muli %arg1, %mul3A_2 : i32
    %mul3A_4 = arith.constant 7680 : i32
    %mul3A_5 = arith.muli %arg1, %mul3A_4 : i32
    %add3A = arith.constant 200704 : i32
    %add3A_6 = arith.addi %add3A, %mul3A_5 : i32
    %select_n3A = arith.select %eq3A_1, %mul3A_3, %add3A_6 : i32
    %eq3A_7 = arith.constant 0 : i32
    %eq3A_8 = arith.cmpi eq, %arg0, %eq3A_7 : i32
    %jit3A = arith.constant 98 : i32
    %jit3A_9 = arith.constant 60 : i32
    %select_n3A_10 = arith.select %eq3A_8, %jit3A, %jit3A_9 : i32
    "tpu.region"() ({
      %run_scoped3A = tpu.sem_alloc : memref<!tpu.dma_semaphore, #tpu.memory_space<semaphore_mem>>
      %dma_start3A = arith.constant 0 : i32
      %dma_start3A_21 = tpu.memref_slice %arg10[%mul3A_0, %dma_start3A] : memref<10112x128xf32, #tpu.memory_space<vmem_shared>> -> memref<632x128xf32, #tpu.memory_space<vmem_shared>>
      tpu.enqueue_dma source(%arg5 : memref<632x128xf32, #tpu.memory_space<hbm>>) target(%dma_start3A_21 : memref<632x128xf32, #tpu.memory_space<vmem_shared>>) target_semaphore(%run_scoped3A : memref<!tpu.dma_semaphore, #tpu.memory_space<semaphore_mem>>)
      %dma_wait3A = arith.constant 0 : i32
      %dma_wait3A_22 = tpu.memref_slice %arg10[%mul3A_0, %dma_wait3A] : memref<10112x128xf32, #tpu.memory_space<vmem_shared>> -> memref<632x128xf32, #tpu.memory_space<vmem_shared>>
      tpu.wait_dma2 semaphore(%run_scoped3A : memref<!tpu.dma_semaphore, #tpu.memory_space<semaphore_mem>>) src(%arg5 : memref<632x128xf32, #tpu.memory_space<hbm>>) dst(%dma_wait3A_22 : memref<632x128xf32, #tpu.memory_space<vmem_shared>>)
      tpu.yield
    }) : () -> ()
    %barrier3A = arith.constant 0 : index
    tpu.barrier barrier_id(%barrier3A)
    %while3A = arith.constant 0 : i32
    %while3A_11 = arith.constant 0 : i32
    %while3A_12 = arith.subi %select_n3A_10, %while3A_11 : i32
    %while3A_13 = arith.addi %while3A_11, %while3A_12 : i32
    %while3A_14 = arith.constant 1 : i32
    %while3A_15 = arith.divsi %while3A_12, %while3A_14 : i32
    %while3A_16 = arith.muli %while3A_15, %while3A_14 : i32
    %while3A_17 = arith.addi %while3A_11, %while3A_16 : i32
    %while3A_18 = arith.constant 1 : i32
    scf.for %while3A_21 = %while3A_11 to %while3A_17 step %while3A_18  : i32 {
      %mul3A_22 = arith.constant 128 : i32
      %mul3A_23 = arith.muli %while3A_21, %mul3A_22 : i32
      %add3A_24 = arith.addi %select_n3A, %mul3A_23 : i32
      "tpu.region"() ({
        %run_scoped3A = tpu.sem_alloc : memref<!tpu.dma_semaphore, #tpu.memory_space<semaphore_mem>>
        %dma_start3A_29 = tpu.memref_slice %arg3[%add3A_24] : memref<323584xi32, #tpu.memory_space<hbm>> -> memref<128xi32, #tpu.memory_space<hbm>>
        %dma_start3A_30 = tpu.memref_slice %arg3[%add3A_24] : memref<323584xi32, #tpu.memory_space<hbm>> -> memref<128xi32, #tpu.memory_space<hbm>>
        tpu.enqueue_dma source(%dma_start3A_30 : memref<128xi32, #tpu.memory_space<hbm>>) target(%arg7 : memref<128xi32, #tpu.memory_space<vmem>>) target_semaphore(%run_scoped3A : memref<!tpu.dma_semaphore, #tpu.memory_space<semaphore_mem>>)
        %dma_wait3A_31 = tpu.memref_slice %arg3[%add3A_24] : memref<323584xi32, #tpu.memory_space<hbm>> -> memref<128xi32, #tpu.memory_space<hbm>>
        %dma_wait3A_32 = tpu.memref_slice %arg3[%add3A_24] : memref<323584xi32, #tpu.memory_space<hbm>> -> memref<128xi32, #tpu.memory_space<hbm>>
        tpu.wait_dma2 semaphore(%run_scoped3A : memref<!tpu.dma_semaphore, #tpu.memory_space<semaphore_mem>>) src(%dma_wait3A_32 : memref<128xi32, #tpu.memory_space<hbm>>) dst(%arg7 : memref<128xi32, #tpu.memory_space<vmem>>)
        tpu.yield
      }) : () -> ()
      "tpu.region"() ({
        %run_scoped3A = tpu.sem_alloc : memref<!tpu.dma_semaphore, #tpu.memory_space<semaphore_mem>>
        %dma_start3A_29 = tpu.memref_slice %arg4[%add3A_24] : memref<323584xi32, #tpu.memory_space<hbm>> -> memref<128xi32, #tpu.memory_space<hbm>>
        %dma_start3A_30 = tpu.memref_slice %arg4[%add3A_24] : memref<323584xi32, #tpu.memory_space<hbm>> -> memref<128xi32, #tpu.memory_space<hbm>>
        tpu.enqueue_dma source(%dma_start3A_30 : memref<128xi32, #tpu.memory_space<hbm>>) target(%arg8 : memref<128xi32, #tpu.memory_space<vmem>>) target_semaphore(%run_scoped3A : memref<!tpu.dma_semaphore, #tpu.memory_space<semaphore_mem>>)
        %dma_wait3A_31 = tpu.memref_slice %arg4[%add3A_24] : memref<323584xi32, #tpu.memory_space<hbm>> -> memref<128xi32, #tpu.memory_space<hbm>>
        %dma_wait3A_32 = tpu.memref_slice %arg4[%add3A_24] : memref<323584xi32, #tpu.memory_space<hbm>> -> memref<128xi32, #tpu.memory_space<hbm>>
        tpu.wait_dma2 semaphore(%run_scoped3A : memref<!tpu.dma_semaphore, #tpu.memory_space<semaphore_mem>>) src(%dma_wait3A_32 : memref<128xi32, #tpu.memory_space<hbm>>) dst(%arg8 : memref<128xi32, #tpu.memory_space<vmem>>)
        tpu.yield
      }) : () -> ()
      %dma_start3A = arith.constant 0 : i32
      %dma_start3A_25 = arith.constant 0 : i32
      %dma_start3A_26 = tpu.memref_slice %arg2[%dma_start3A, %dma_start3A_25] : memref<10000x128xf32, #tpu.memory_space<hbm>> -> memref<10000x128xf32, #tpu.memory_space<hbm>>
      tpu.enqueue_indirect_dma source(%dma_start3A_26 : memref<10000x128xf32, #tpu.memory_space<hbm>>) target(%arg9 : memref<128x128xf32, #tpu.memory_space<vmem>>) offsets(%arg7 : memref<128xi32, #tpu.memory_space<vmem>>) semaphore(%arg11 : memref<!tpu.dma_semaphore, #tpu.memory_space<semaphore_mem>>)
      %dma_wait3A = arith.constant 0 : i32
      %dma_wait3A_27 = arith.constant 0 : i32
      %dma_wait3A_28 = tpu.memref_slice %arg2[%dma_wait3A, %dma_wait3A_27] : memref<10000x128xf32, #tpu.memory_space<hbm>> -> memref<10000x128xf32, #tpu.memory_space<hbm>>
      tpu.wait_indirect_dma semaphore(%arg11 : memref<!tpu.dma_semaphore, #tpu.memory_space<semaphore_mem>>) src(%dma_wait3A_28 : memref<10000x128xf32, #tpu.memory_space<hbm>>) dst(%arg9 : memref<128x128xf32, #tpu.memory_space<vmem>>)
      "tpu.region"() ({
        %run_scoped3A = tpu.sem_alloc : memref<!tpu.dma_semaphore, #tpu.memory_space<semaphore_mem>>
        %dma_start3A_29 = arith.constant 0 : i32
        %dma_start3A_30 = arith.constant 0 : i32
        %dma_start3A_31 = tpu.memref_slice %arg10[%dma_start3A_29, %dma_start3A_30] : memref<10112x128xf32, #tpu.memory_space<vmem_shared>> -> memref<10112x128xf32, #tpu.memory_space<vmem_shared>>
        tpu.enqueue_indirect_dma source(%arg9 : memref<128x128xf32, #tpu.memory_space<vmem>>) target(%dma_start3A_31 : memref<10112x128xf32, #tpu.memory_space<vmem_shared>>) offsets(%arg8 : memref<128xi32, #tpu.memory_space<vmem>>) semaphore(%run_scoped3A : memref<!tpu.dma_semaphore, #tpu.memory_space<semaphore_mem>>) {add = true}
        %dma_wait3A_32 = arith.constant 0 : i32
        %dma_wait3A_33 = arith.constant 0 : i32
        %dma_wait3A_34 = tpu.memref_slice %arg10[%dma_wait3A_32, %dma_wait3A_33] : memref<10112x128xf32, #tpu.memory_space<vmem_shared>> -> memref<10112x128xf32, #tpu.memory_space<vmem_shared>>
        tpu.wait_indirect_dma semaphore(%run_scoped3A : memref<!tpu.dma_semaphore, #tpu.memory_space<semaphore_mem>>) src(%arg9 : memref<128x128xf32, #tpu.memory_space<vmem>>) dst(%dma_wait3A_34 : memref<10112x128xf32, #tpu.memory_space<vmem_shared>>)
        tpu.yield
      }) : () -> ()
    }
    %while3A_19 = arith.constant 1 : i32
    scf.for %while3A_21 = %while3A_17 to %while3A_13 step %while3A_19  : i32 {
      %mul3A_22 = arith.constant 128 : i32
      %mul3A_23 = arith.muli %while3A_21, %mul3A_22 : i32
      %add3A_24 = arith.addi %select_n3A, %mul3A_23 : i32
      "tpu.region"() ({
        %run_scoped3A = tpu.sem_alloc : memref<!tpu.dma_semaphore, #tpu.memory_space<semaphore_mem>>
        %dma_start3A_29 = tpu.memref_slice %arg3[%add3A_24] : memref<323584xi32, #tpu.memory_space<hbm>> -> memref<128xi32, #tpu.memory_space<hbm>>
        %dma_start3A_30 = tpu.memref_slice %arg3[%add3A_24] : memref<323584xi32, #tpu.memory_space<hbm>> -> memref<128xi32, #tpu.memory_space<hbm>>
        tpu.enqueue_dma source(%dma_start3A_30 : memref<128xi32, #tpu.memory_space<hbm>>) target(%arg7 : memref<128xi32, #tpu.memory_space<vmem>>) target_semaphore(%run_scoped3A : memref<!tpu.dma_semaphore, #tpu.memory_space<semaphore_mem>>)
        %dma_wait3A_31 = tpu.memref_slice %arg3[%add3A_24] : memref<323584xi32, #tpu.memory_space<hbm>> -> memref<128xi32, #tpu.memory_space<hbm>>
        %dma_wait3A_32 = tpu.memref_slice %arg3[%add3A_24] : memref<323584xi32, #tpu.memory_space<hbm>> -> memref<128xi32, #tpu.memory_space<hbm>>
        tpu.wait_dma2 semaphore(%run_scoped3A : memref<!tpu.dma_semaphore, #tpu.memory_space<semaphore_mem>>) src(%dma_wait3A_32 : memref<128xi32, #tpu.memory_space<hbm>>) dst(%arg7 : memref<128xi32, #tpu.memory_space<vmem>>)
        tpu.yield
      }) : () -> ()
      "tpu.region"() ({
        %run_scoped3A = tpu.sem_alloc : memref<!tpu.dma_semaphore, #tpu.memory_space<semaphore_mem>>
        %dma_start3A_29 = tpu.memref_slice %arg4[%add3A_24] : memref<323584xi32, #tpu.memory_space<hbm>> -> memref<128xi32, #tpu.memory_space<hbm>>
        %dma_start3A_30 = tpu.memref_slice %arg4[%add3A_24] : memref<323584xi32, #tpu.memory_space<hbm>> -> memref<128xi32, #tpu.memory_space<hbm>>
        tpu.enqueue_dma source(%dma_start3A_30 : memref<128xi32, #tpu.memory_space<hbm>>) target(%arg8 : memref<128xi32, #tpu.memory_space<vmem>>) target_semaphore(%run_scoped3A : memref<!tpu.dma_semaphore, #tpu.memory_space<semaphore_mem>>)
        %dma_wait3A_31 = tpu.memref_slice %arg4[%add3A_24] : memref<323584xi32, #tpu.memory_space<hbm>> -> memref<128xi32, #tpu.memory_space<hbm>>
        %dma_wait3A_32 = tpu.memref_slice %arg4[%add3A_24] : memref<323584xi32, #tpu.memory_space<hbm>> -> memref<128xi32, #tpu.memory_space<hbm>>
        tpu.wait_dma2 semaphore(%run_scoped3A : memref<!tpu.dma_semaphore, #tpu.memory_space<semaphore_mem>>) src(%dma_wait3A_32 : memref<128xi32, #tpu.memory_space<hbm>>) dst(%arg8 : memref<128xi32, #tpu.memory_space<vmem>>)
        tpu.yield
      }) : () -> ()
      %dma_start3A = arith.constant 0 : i32
      %dma_start3A_25 = arith.constant 0 : i32
      %dma_start3A_26 = tpu.memref_slice %arg2[%dma_start3A, %dma_start3A_25] : memref<10000x128xf32, #tpu.memory_space<hbm>> -> memref<10000x128xf32, #tpu.memory_space<hbm>>
      tpu.enqueue_indirect_dma source(%dma_start3A_26 : memref<10000x128xf32, #tpu.memory_space<hbm>>) target(%arg9 : memref<128x128xf32, #tpu.memory_space<vmem>>) offsets(%arg7 : memref<128xi32, #tpu.memory_space<vmem>>) semaphore(%arg11 : memref<!tpu.dma_semaphore, #tpu.memory_space<semaphore_mem>>)
      %dma_wait3A = arith.constant 0 : i32
      %dma_wait3A_27 = arith.constant 0 : i32
      %dma_wait3A_28 = tpu.memref_slice %arg2[%dma_wait3A, %dma_wait3A_27] : memref<10000x128xf32, #tpu.memory_space<hbm>> -> memref<10000x128xf32, #tpu.memory_space<hbm>>
      tpu.wait_indirect_dma semaphore(%arg11 : memref<!tpu.dma_semaphore, #tpu.memory_space<semaphore_mem>>) src(%dma_wait3A_28 : memref<10000x128xf32, #tpu.memory_space<hbm>>) dst(%arg9 : memref<128x128xf32, #tpu.memory_space<vmem>>)
      "tpu.region"() ({
        %run_scoped3A = tpu.sem_alloc : memref<!tpu.dma_semaphore, #tpu.memory_space<semaphore_mem>>
        %dma_start3A_29 = arith.constant 0 : i32
        %dma_start3A_30 = arith.constant 0 : i32
        %dma_start3A_31 = tpu.memref_slice %arg10[%dma_start3A_29, %dma_start3A_30] : memref<10112x128xf32, #tpu.memory_space<vmem_shared>> -> memref<10112x128xf32, #tpu.memory_space<vmem_shared>>
        tpu.enqueue_indirect_dma source(%arg9 : memref<128x128xf32, #tpu.memory_space<vmem>>) target(%dma_start3A_31 : memref<10112x128xf32, #tpu.memory_space<vmem_shared>>) offsets(%arg8 : memref<128xi32, #tpu.memory_space<vmem>>) semaphore(%run_scoped3A : memref<!tpu.dma_semaphore, #tpu.memory_space<semaphore_mem>>) {add = true}
        %dma_wait3A_32 = arith.constant 0 : i32
        %dma_wait3A_33 = arith.constant 0 : i32
        %dma_wait3A_34 = tpu.memref_slice %arg10[%dma_wait3A_32, %dma_wait3A_33] : memref<10112x128xf32, #tpu.memory_space<vmem_shared>> -> memref<10112x128xf32, #tpu.memory_space<vmem_shared>>
        tpu.wait_indirect_dma semaphore(%run_scoped3A : memref<!tpu.dma_semaphore, #tpu.memory_space<semaphore_mem>>) src(%arg9 : memref<128x128xf32, #tpu.memory_space<vmem>>) dst(%dma_wait3A_34 : memref<10112x128xf32, #tpu.memory_space<vmem_shared>>)
        tpu.yield
      }) : () -> ()
    }
    %barrier3A_20 = arith.constant 0 : index
    tpu.barrier barrier_id(%barrier3A_20)
    "tpu.region"() ({
      %run_scoped3A = tpu.sem_alloc : memref<!tpu.dma_semaphore, #tpu.memory_space<semaphore_mem>>
      %dma_start3A = arith.constant 0 : i32
      %dma_start3A_21 = tpu.memref_slice %arg6[%arg0, %mul3A_0, %dma_start3A] : memref<2x10112x128xf32, #tpu.memory_space<hbm>> -> memref<1x632x128xf32, #tpu.memory_space<hbm>>
      %dma_start3A_22 = tpu.memref_squeeze %dma_start3A_21 : memref<1x632x128xf32, #tpu.memory_space<hbm>> -> memref<632x128xf32, #tpu.memory_space<hbm>>
      %dma_start3A_23 = arith.constant 0 : i32
      %dma_start3A_24 = tpu.memref_slice %arg10[%mul3A_0, %dma_start3A_23] : memref<10112x128xf32, #tpu.memory_space<vmem_shared>> -> memref<632x128xf32, #tpu.memory_space<vmem_shared>>
      tpu.enqueue_dma source(%dma_start3A_24 : memref<632x128xf32, #tpu.memory_space<vmem_shared>>) target(%dma_start3A_22 : memref<632x128xf32, #tpu.memory_space<hbm>>) target_semaphore(%run_scoped3A : memref<!tpu.dma_semaphore, #tpu.memory_space<semaphore_mem>>)
      %dma_wait3A = arith.constant 0 : i32
      %dma_wait3A_25 = tpu.memref_slice %arg6[%arg0, %mul3A_0, %dma_wait3A] : memref<2x10112x128xf32, #tpu.memory_space<hbm>> -> memref<1x632x128xf32, #tpu.memory_space<hbm>>
      %dma_wait3A_26 = tpu.memref_squeeze %dma_wait3A_25 : memref<1x632x128xf32, #tpu.memory_space<hbm>> -> memref<632x128xf32, #tpu.memory_space<hbm>>
      %dma_wait3A_27 = arith.constant 0 : i32
      %dma_wait3A_28 = tpu.memref_slice %arg10[%mul3A_0, %dma_wait3A_27] : memref<10112x128xf32, #tpu.memory_space<vmem_shared>> -> memref<632x128xf32, #tpu.memory_space<vmem_shared>>
      tpu.wait_dma2 semaphore(%run_scoped3A : memref<!tpu.dma_semaphore, #tpu.memory_space<semaphore_mem>>) src(%dma_wait3A_28 : memref<632x128xf32, #tpu.memory_space<vmem_shared>>) dst(%dma_wait3A_26 : memref<632x128xf32, #tpu.memory_space<hbm>>)
      tpu.yield
    }) : () -> ()
    return
  }
}

module attributes {stable_mosaic.version = 14 : i64} {
  func.func @sage_dense_relu_res(%arg0: i32, %arg1: memref<2x1024x128xf32, #tpu.memory_space<vmem>>, %arg2: memref<1024x1xf32, #tpu.memory_space<vmem>>, %arg3: memref<1024x128xf32, #tpu.memory_space<vmem>>, %arg4: memref<128x128xf32, #tpu.memory_space<vmem>>, %arg5: memref<1x128xf32, #tpu.memory_space<vmem>>, %arg6: memref<128x128xf32, #tpu.memory_space<vmem>>, %arg7: memref<1024x128xf32, #tpu.memory_space<vmem>>) attributes {dimension_semantics = [#tpu.dimension_semantics<arbitrary>], iteration_bounds = array<i64: 10>, scalar_prefetch = 0 : i64, scratch_operands = 0 : i64, tpu.core_type = #tpu.core_type<tc>, window_params = [{transform_indices = @transform_0, window_bounds = array<i64: 2, 1024, 128>}, {transform_indices = @transform_1, window_bounds = array<i64: 1024, 1>}, {transform_indices = @transform_2, window_bounds = array<i64: 1024, 128>}, {pipeline_mode = #tpu.pipeline_mode<synchronous>, transform_indices = @transform_3, window_bounds = array<i64: 128, 128>}, {pipeline_mode = #tpu.pipeline_mode<synchronous>, transform_indices = @transform_4, window_bounds = array<i64: 1, 128>}, {pipeline_mode = #tpu.pipeline_mode<synchronous>, transform_indices = @transform_5, window_bounds = array<i64: 128, 128>}, {transform_indices = @transform_6, window_bounds = array<i64: 1024, 128>}]} {
    %get3A = arith.constant 0 : index
    %get3A_0 = arith.constant 0 : index
    %get3A_1 = arith.constant 0 : index
    %get3A_2 = vector.load %arg1[%get3A, %get3A_0, %get3A_1] : memref<2x1024x128xf32, #tpu.memory_space<vmem>>, vector<1x1024x128xf32>
    %get3A_3 = vector.shape_cast %get3A_2 : vector<1x1024x128xf32> to vector<1024x128xf32>
    %get3A_4 = arith.constant 1 : index
    %get3A_5 = arith.constant 0 : index
    %get3A_6 = arith.constant 0 : index
    %get3A_7 = vector.load %arg1[%get3A_4, %get3A_5, %get3A_6] : memref<2x1024x128xf32, #tpu.memory_space<vmem>>, vector<1x1024x128xf32>
    %get3A_8 = vector.shape_cast %get3A_7 : vector<1x1024x128xf32> to vector<1024x128xf32>
    %add3A = arith.addf %get3A_3, %get3A_8 : vector<1024x128xf32>
    %get3A_9 = arith.constant 0 : index
    %get3A_10 = arith.constant 0 : index
    %get3A_11 = vector.load %arg2[%get3A_9, %get3A_10] : memref<1024x1xf32, #tpu.memory_space<vmem>>, vector<1024x1xf32>
    %mul3A = vector.broadcast %get3A_11 : vector<1024x1xf32> to vector<1024x128xf32>
    %mul3A_12 = arith.mulf %add3A, %mul3A : vector<1024x128xf32>
    %get3A_13 = arith.constant 0 : index
    %get3A_14 = arith.constant 0 : index
    %get3A_15 = vector.load %arg4[%get3A_13, %get3A_14] : memref<128x128xf32, #tpu.memory_space<vmem>>, vector<128x128xf32>
    %dot_general3A = arith.constant dense<0.000000e+00> : vector<1024x128xf32>
    %dot_general3A_16 = tpu.matmul %mul3A_12, %get3A_15, %dot_general3A {dimension_numbers = #tpu.dot_dimension_numbers<[1], [0], [0], [1], [0, 0, 1, 1], [], []>, transpose_lhs_hint = false} : vector<1024x128xf32>, vector<128x128xf32>, vector<1024x128xf32> -> vector<1024x128xf32>
    %get3A_17 = arith.constant 0 : index
    %get3A_18 = arith.constant 0 : index
    %get3A_19 = vector.load %arg3[%get3A_17, %get3A_18] : memref<1024x128xf32, #tpu.memory_space<vmem>>, vector<1024x128xf32>
    %get3A_20 = arith.constant 0 : index
    %get3A_21 = arith.constant 0 : index
    %get3A_22 = vector.load %arg6[%get3A_20, %get3A_21] : memref<128x128xf32, #tpu.memory_space<vmem>>, vector<128x128xf32>
    %dot_general3A_23 = arith.constant dense<0.000000e+00> : vector<1024x128xf32>
    %dot_general3A_24 = tpu.matmul %get3A_19, %get3A_22, %dot_general3A_23 {dimension_numbers = #tpu.dot_dimension_numbers<[1], [0], [0], [1], [0, 0, 1, 1], [], []>, transpose_lhs_hint = false} : vector<1024x128xf32>, vector<128x128xf32>, vector<1024x128xf32> -> vector<1024x128xf32>
    %add3A_25 = arith.addf %dot_general3A_16, %dot_general3A_24 : vector<1024x128xf32>
    %get3A_26 = arith.constant 0 : index
    %get3A_27 = arith.constant 0 : index
    %get3A_28 = vector.load %arg5[%get3A_26, %get3A_27] : memref<1x128xf32, #tpu.memory_space<vmem>>, vector<1x128xf32>
    %add3A_29 = vector.broadcast %get3A_28 : vector<1x128xf32> to vector<1024x128xf32>
    %add3A_30 = arith.addf %add3A_25, %add3A_29 : vector<1024x128xf32>
    %max3A = arith.constant 0.000000e+00 : f32
    %max3A_31 = vector.broadcast %max3A : f32 to vector<1024x128xf32>
    %max3A_32 = arith.maximumf %add3A_30, %max3A_31 : vector<1024x128xf32>
    %get3A_33 = arith.constant 0 : index
    %get3A_34 = arith.constant 0 : index
    %get3A_35 = vector.load %arg3[%get3A_33, %get3A_34] : memref<1024x128xf32, #tpu.memory_space<vmem>>, vector<1024x128xf32>
    %add3A_36 = arith.addf %max3A_32, %get3A_35 : vector<1024x128xf32>
    %swap3A = arith.constant 0 : index
    %swap3A_37 = arith.constant 0 : index
    %swap3A_38 = vector.load %arg7[%swap3A, %swap3A_37] : memref<1024x128xf32, #tpu.memory_space<vmem>>, vector<1024x128xf32>
    tpu.vector_store %arg7[%swap3A, %swap3A_37], %add3A_36 {strides = array<i32>} : memref<1024x128xf32, #tpu.memory_space<vmem>>, vector<1024x128xf32>,
    return
  }
  func.func @transform_0(%arg0: i32) -> (i32, i32, i32) {
    %c0_i32 = arith.constant 0 : i32
    %c0_i32_0 = arith.constant 0 : i32
    %c0_i32_1 = arith.constant 0 : i32
    return %c0_i32, %arg0, %c0_i32_0 : i32, i32, i32
  }
  func.func @transform_1(%arg0: i32) -> (i32, i32) {
    %c0_i32 = arith.constant 0 : i32
    %c0_i32_0 = arith.constant 0 : i32
    return %arg0, %c0_i32 : i32, i32
  }
  func.func @transform_2(%arg0: i32) -> (i32, i32) {
    %c0_i32 = arith.constant 0 : i32
    %c0_i32_0 = arith.constant 0 : i32
    return %arg0, %c0_i32 : i32, i32
  }
  func.func @transform_3(%arg0: i32) -> (i32, i32) {
    %c0_i32 = arith.constant 0 : i32
    %c0_i32_0 = arith.constant 0 : i32
    %c0_i32_1 = arith.constant 0 : i32
    return %c0_i32, %c0_i32_0 : i32, i32
  }
  func.func @transform_4(%arg0: i32) -> (i32, i32) {
    %c0_i32 = arith.constant 0 : i32
    %c0_i32_0 = arith.constant 0 : i32
    %c0_i32_1 = arith.constant 0 : i32
    return %c0_i32, %c0_i32_0 : i32, i32
  }
  func.func @transform_5(%arg0: i32) -> (i32, i32) {
    %c0_i32 = arith.constant 0 : i32
    %c0_i32_0 = arith.constant 0 : i32
    %c0_i32_1 = arith.constant 0 : i32
    return %c0_i32, %c0_i32_0 : i32, i32
  }
  func.func @transform_6(%arg0: i32) -> (i32, i32) {
    %c0_i32 = arith.constant 0 : i32
    %c0_i32_0 = arith.constant 0 : i32
    return %arg0, %c0_i32 : i32, i32
  }
}

module attributes {stable_mosaic.version = 14 : i64} {
  func.func @sage_recip_cnt(%arg0: i32, %arg1: memref<2x1024x128xf32, #tpu.memory_space<vmem>>, %arg2: memref<1024x1xf32, #tpu.memory_space<vmem>>) attributes {dimension_semantics = [#tpu.dimension_semantics<arbitrary>], iteration_bounds = array<i64: 10>, scalar_prefetch = 0 : i64, scratch_operands = 0 : i64, tpu.core_type = #tpu.core_type<tc>, window_params = [{transform_indices = @transform_0, window_bounds = array<i64: 2, 1024, 128>}, {transform_indices = @transform_1, window_bounds = array<i64: 1024, 1>}]} {
    %get3A = arith.constant 0 : index
    %get3A_0 = arith.constant 0 : index
    %get3A_1 = arith.constant 0 : index
    %get3A_2 = vector.load %arg1[%get3A, %get3A_0, %get3A_1] : memref<2x1024x128xf32, #tpu.memory_space<vmem>>, vector<1x1024x1xf32>
    %get3A_3 = vector.shape_cast %get3A_2 : vector<1x1024x1xf32> to vector<1024x1xf32>
    %get3A_4 = arith.constant 1 : index
    %get3A_5 = arith.constant 0 : index
    %get3A_6 = arith.constant 0 : index
    %get3A_7 = vector.load %arg1[%get3A_4, %get3A_5, %get3A_6] : memref<2x1024x128xf32, #tpu.memory_space<vmem>>, vector<1x1024x1xf32>
    %get3A_8 = vector.shape_cast %get3A_7 : vector<1x1024x1xf32> to vector<1024x1xf32>
    %add3A = arith.addf %get3A_3, %get3A_8 : vector<1024x1xf32>
    %max3A = arith.constant 1.000000e+00 : f32
    %max3A_9 = vector.broadcast %max3A : f32 to vector<1024x1xf32>
    %max3A_10 = arith.maximumf %add3A, %max3A_9 : vector<1024x1xf32>
    %div3A = arith.constant 1.000000e+00 : f32
    %div3A_11 = vector.broadcast %div3A : f32 to vector<1024x1xf32>
    %div3A_12 = arith.divf %div3A_11, %max3A_10 : vector<1024x1xf32>
    %swap3A = arith.constant 0 : index
    %swap3A_13 = arith.constant 0 : index
    %swap3A_14 = vector.load %arg2[%swap3A, %swap3A_13] : memref<1024x1xf32, #tpu.memory_space<vmem>>, vector<1024x1xf32>
    tpu.vector_store %arg2[%swap3A, %swap3A_13], %div3A_12 {strides = array<i32>} : memref<1024x1xf32, #tpu.memory_space<vmem>>, vector<1024x1xf32>,
    return
  }
  func.func @transform_0(%arg0: i32) -> (i32, i32, i32) {
    %c0_i32 = arith.constant 0 : i32
    %c0_i32_0 = arith.constant 0 : i32
    %c0_i32_1 = arith.constant 0 : i32
    return %c0_i32, %arg0, %c0_i32_0 : i32, i32, i32
  }
  func.func @transform_1(%arg0: i32) -> (i32, i32) {
    %c0_i32 = arith.constant 0 : i32
    %c0_i32_0 = arith.constant 0 : i32
    return %arg0, %c0_i32 : i32, i32
  }
}

module attributes {stable_mosaic.version = 14 : i64} {
  func.func @sage_dense(%arg0: i32, %arg1: memref<2x1024x128xf32, #tpu.memory_space<vmem>>, %arg2: memref<1024x1xf32, #tpu.memory_space<vmem>>, %arg3: memref<1024x128xf32, #tpu.memory_space<vmem>>, %arg4: memref<128x128xf32, #tpu.memory_space<vmem>>, %arg5: memref<1x128xf32, #tpu.memory_space<vmem>>, %arg6: memref<128x128xf32, #tpu.memory_space<vmem>>, %arg7: memref<1024x128xf32, #tpu.memory_space<vmem>>) attributes {dimension_semantics = [#tpu.dimension_semantics<arbitrary>], iteration_bounds = array<i64: 10>, scalar_prefetch = 0 : i64, scratch_operands = 0 : i64, tpu.core_type = #tpu.core_type<tc>, window_params = [{transform_indices = @transform_0, window_bounds = array<i64: 2, 1024, 128>}, {transform_indices = @transform_1, window_bounds = array<i64: 1024, 1>}, {transform_indices = @transform_2, window_bounds = array<i64: 1024, 128>}, {pipeline_mode = #tpu.pipeline_mode<synchronous>, transform_indices = @transform_3, window_bounds = array<i64: 128, 128>}, {pipeline_mode = #tpu.pipeline_mode<synchronous>, transform_indices = @transform_4, window_bounds = array<i64: 1, 128>}, {pipeline_mode = #tpu.pipeline_mode<synchronous>, transform_indices = @transform_5, window_bounds = array<i64: 128, 128>}, {transform_indices = @transform_6, window_bounds = array<i64: 1024, 128>}]} {
    %get3A = arith.constant 0 : index
    %get3A_0 = arith.constant 0 : index
    %get3A_1 = arith.constant 0 : index
    %get3A_2 = vector.load %arg1[%get3A, %get3A_0, %get3A_1] : memref<2x1024x128xf32, #tpu.memory_space<vmem>>, vector<1x1024x128xf32>
    %get3A_3 = vector.shape_cast %get3A_2 : vector<1x1024x128xf32> to vector<1024x128xf32>
    %get3A_4 = arith.constant 1 : index
    %get3A_5 = arith.constant 0 : index
    %get3A_6 = arith.constant 0 : index
    %get3A_7 = vector.load %arg1[%get3A_4, %get3A_5, %get3A_6] : memref<2x1024x128xf32, #tpu.memory_space<vmem>>, vector<1x1024x128xf32>
    %get3A_8 = vector.shape_cast %get3A_7 : vector<1x1024x128xf32> to vector<1024x128xf32>
    %add3A = arith.addf %get3A_3, %get3A_8 : vector<1024x128xf32>
    %get3A_9 = arith.constant 0 : index
    %get3A_10 = arith.constant 0 : index
    %get3A_11 = vector.load %arg2[%get3A_9, %get3A_10] : memref<1024x1xf32, #tpu.memory_space<vmem>>, vector<1024x1xf32>
    %mul3A = vector.broadcast %get3A_11 : vector<1024x1xf32> to vector<1024x128xf32>
    %mul3A_12 = arith.mulf %add3A, %mul3A : vector<1024x128xf32>
    %get3A_13 = arith.constant 0 : index
    %get3A_14 = arith.constant 0 : index
    %get3A_15 = vector.load %arg4[%get3A_13, %get3A_14] : memref<128x128xf32, #tpu.memory_space<vmem>>, vector<128x128xf32>
    %dot_general3A = arith.constant dense<0.000000e+00> : vector<1024x128xf32>
    %dot_general3A_16 = tpu.matmul %mul3A_12, %get3A_15, %dot_general3A {dimension_numbers = #tpu.dot_dimension_numbers<[1], [0], [0], [1], [0, 0, 1, 1], [], []>, transpose_lhs_hint = false} : vector<1024x128xf32>, vector<128x128xf32>, vector<1024x128xf32> -> vector<1024x128xf32>
    %get3A_17 = arith.constant 0 : index
    %get3A_18 = arith.constant 0 : index
    %get3A_19 = vector.load %arg3[%get3A_17, %get3A_18] : memref<1024x128xf32, #tpu.memory_space<vmem>>, vector<1024x128xf32>
    %get3A_20 = arith.constant 0 : index
    %get3A_21 = arith.constant 0 : index
    %get3A_22 = vector.load %arg6[%get3A_20, %get3A_21] : memref<128x128xf32, #tpu.memory_space<vmem>>, vector<128x128xf32>
    %dot_general3A_23 = arith.constant dense<0.000000e+00> : vector<1024x128xf32>
    %dot_general3A_24 = tpu.matmul %get3A_19, %get3A_22, %dot_general3A_23 {dimension_numbers = #tpu.dot_dimension_numbers<[1], [0], [0], [1], [0, 0, 1, 1], [], []>, transpose_lhs_hint = false} : vector<1024x128xf32>, vector<128x128xf32>, vector<1024x128xf32> -> vector<1024x128xf32>
    %add3A_25 = arith.addf %dot_general3A_16, %dot_general3A_24 : vector<1024x128xf32>
    %get3A_26 = arith.constant 0 : index
    %get3A_27 = arith.constant 0 : index
    %get3A_28 = vector.load %arg5[%get3A_26, %get3A_27] : memref<1x128xf32, #tpu.memory_space<vmem>>, vector<1x128xf32>
    %add3A_29 = vector.broadcast %get3A_28 : vector<1x128xf32> to vector<1024x128xf32>
    %add3A_30 = arith.addf %add3A_25, %add3A_29 : vector<1024x128xf32>
    %swap3A = arith.constant 0 : index
    %swap3A_31 = arith.constant 0 : index
    %swap3A_32 = vector.load %arg7[%swap3A, %swap3A_31] : memref<1024x128xf32, #tpu.memory_space<vmem>>, vector<1024x128xf32>
    tpu.vector_store %arg7[%swap3A, %swap3A_31], %add3A_30 {strides = array<i32>} : memref<1024x128xf32, #tpu.memory_space<vmem>>, vector<1024x128xf32>,
    return
  }
  func.func @transform_0(%arg0: i32) -> (i32, i32, i32) {
    %c0_i32 = arith.constant 0 : i32
    %c0_i32_0 = arith.constant 0 : i32
    %c0_i32_1 = arith.constant 0 : i32
    return %c0_i32, %arg0, %c0_i32_0 : i32, i32, i32
  }
  func.func @transform_1(%arg0: i32) -> (i32, i32) {
    %c0_i32 = arith.constant 0 : i32
    %c0_i32_0 = arith.constant 0 : i32
    return %arg0, %c0_i32 : i32, i32
  }
  func.func @transform_2(%arg0: i32) -> (i32, i32) {
    %c0_i32 = arith.constant 0 : i32
    %c0_i32_0 = arith.constant 0 : i32
    return %arg0, %c0_i32 : i32, i32
  }
  func.func @transform_3(%arg0: i32) -> (i32, i32) {
    %c0_i32 = arith.constant 0 : i32
    %c0_i32_0 = arith.constant 0 : i32
    %c0_i32_1 = arith.constant 0 : i32
    return %c0_i32, %c0_i32_0 : i32, i32
  }
  func.func @transform_4(%arg0: i32) -> (i32, i32) {
    %c0_i32 = arith.constant 0 : i32
    %c0_i32_0 = arith.constant 0 : i32
    %c0_i32_1 = arith.constant 0 : i32
    return %c0_i32, %c0_i32_0 : i32, i32
  }
  func.func @transform_5(%arg0: i32) -> (i32, i32) {
    %c0_i32 = arith.constant 0 : i32
    %c0_i32_0 = arith.constant 0 : i32
    %c0_i32_1 = arith.constant 0 : i32
    return %c0_i32, %c0_i32_0 : i32, i32
  }
  func.func @transform_6(%arg0: i32) -> (i32, i32) {
    %c0_i32 = arith.constant 0 : i32
    %c0_i32_0 = arith.constant 0 : i32
    return %arg0, %c0_i32 : i32, i32
  }
}

</mosaic_0001>

<sc_bundles>
// kernel: sage_edge_agg.4.cloned.1.call-start
scs
__scs_entry_jumppad:
0x0: {  	(pc) =	sbr.rel $0x88, $3  }
0x1: {  	(tag) =	ssettag $0x0;
	lr =	simm.s32 $0x1  }
0x2: {  	[smem:$0x3F96] =	sst lr;
	_ =	strace $0xD0000000  }
0x3: {  	_ = 	snop  }
0x4: {  	_ = 	snop  }
0x5: {  	_ = 	snop  }
0x6: {  	_ = 	snop  }
0x7: {  	_ = 	snop  }
__scs_overlays_trampoline_lowered:
0x8: {  	[smem:$0x3FA5] =	sst s0  }
0x9: {  	[smem:$0x3FA6] =	sst s1  }
0xa: {  	[smem:$0x3FA7] =	sst s2  }
0xb: {  	[smem:$0x3FA8] =	sst s3  }
0xc: {  	[smem:$0x3FA9] =	sst s4  }
0xd: {  	[smem:$0x3FAA] =	sst s5  }
0xe: {  	[smem:$0x3FAB] =	sst s6  }
0xf: {  	[smem:$0x3FAC] =	sst s7  }
0x10: {  	[smem:$0x3FAD] =	sst s8  }
0x11: {  	[smem:$0x3FAE] =	sst s9;
	s0 =	simm.s32 @!p0 $0x0  }
0x12: {  	s1 =	sld [smem:$0x3F94];
	s0 =	simm.s32 @p0 $0x1  }
0x13: {  	[smem:$0x3FAF] =	sst s0;
	s0 =	simm.s32 @!p1 $0x0  }
0x14: {  	s2 =	sld [smem:$0x3F93];
	s0 =	simm.s32 @p1 $0x1  }
0x15: {  	[smem:$0x3FB0] =	sst s0;
	s0 =	simm.s32 @!p2 $0x0  }
0x16: {  	s3 =	sld [smem:$0x3FDB];
	s0 =	simm.s32 @p2 $0x1  }
0x17: {  	s4 =	simm.s32 $0x1BF5;
	[smem:$0x3FB2] =	sst s0  }
0x18: {  	s0 =	sld [smem:$0x3F95];
	_ =	swait.ge [sflag:s4], $0x0  }
0x19: {  	s7 =	sld [smem:$0x3F96]  }
0x1a: {  	s8 =	sadd.s32 $0xFFFFE003, lr  }
0x1b: {  	s9 =	sadd.s32 $0xFFFFFEF7, lr;
	s5 =	simm.s32 $0xFFFFFFFF;
	p2 =	slt.u32 s8, $0xFFFFF086  }
0x1c: {  	p1 =	slt.u32 s9, $0xF7A;
	s5 =	simm.s32 @!p2 $0x0  }
0x1d: {  	s5 =	simm.s32 @p1 $0x1;
	p0 =	seq.s32 s7, s2  }
0x1e: {  	s7 =	smul.u32 @!p0 $0xF7A, s2;
	p2 =	seq.s32 @!p0 s5, $0x0  }
0x1f: {  	s9 =	smul.u32 $0xF7A, s1;
	s8 =	simm.s32 @!p0 $0x1BF5;
	p2 =	por !p2, p0  }
0x20: {  	[sflag:s8] =	ssyncset.s32 @!p0 $0xFFFFF086;
	s6 =	sadd.s32 @!p0 s3, s7;
	s7 =	simm.s32 @!p0 $0x108  }
0x21: {  	s3 =	sadd.s32 s3, s9;
	s6 =	sadd.s32 @!p0 $0x88, s6;
	s7 =	simm.s32 @p2 $0x1082  }
0x22: {  	[simem:s7], [sflag:s8] =	dma.local @!p0 [hbm:s6], $0xF7A  }
0x23: {  	s9 =	sor.u32 $0xD0000000, s2;
	s6 =	simm.s32 $0x108;
	_ =	swait.ge @!p0 [sflag:s8], $0x0  }
0x24: {  	s3 =	sadd.s32 $0x88, s3;
	s6 =	simm.s32 @!p1 $0x1082;
	[sflag:s4] =	ssyncset.s32 $0xFFFFF086  }
0x25: {  	[simem:s6], [sflag:s4] =	dma.local [hbm:s3], $0xF7A  }
0x26: {  	[smem:$0x3F96] =	sst s1;
	(tag) =	ssettag s2;
	_ =	strace s9  }
0x27: {  	s1 =	sld [smem:$0x3FA6]  }
0x28: {  	s2 =	sld [smem:$0x3FA7]  }
0x29: {  	s4 =	sld [smem:$0x3FA9]  }
0x2a: {  	p0 =	seq.s32 s5, $0x0;
	s5 =	sld [smem:$0x3FAA]  }
0x2b: {  	s6 =	sld [smem:$0x3FAB]  }
0x2c: {  	s7 =	sld [smem:$0x3FAC]  }
0x2d: {  	s3 =	simm.s32 $0x108;
	s8 =	sld [smem:$0x3FAD]  }
0x2e: {  	s3 =	simm.s32 @!p0 $0x1082;
	s9 =	sld [smem:$0x3FAE]  }
0x2f: {  	lr =	sadd.s32 s0, s3;
	s0 =	sld [smem:$0x3FA5]  }
0x30: {  	s3 =	sld [smem:$0x3FA8]  }
0x31: {  	[smem:$0x3FB1] =	sst s10  }
0x32: {  	s10 =	sld [smem:$0x3FAF];
	_ =	sdelay $0x3  }
0x33: {  	p0 =	seq.s32 s10, $0x1;
	s10 =	sld [smem:$0x3FB1];
	_ =	sdelay $0x3  }
0x34: {  	[smem:$0x3FB1] =	sst s10  }
0x35: {  	s10 =	sld [smem:$0x3FB0];
	_ =	sdelay $0x3  }
0x36: {  	p1 =	seq.s32 s10, $0x1;
	s10 =	sld [smem:$0x3FB1];
	_ =	sdelay $0x3  }
0x37: {  	[smem:$0x3FB1] =	sst s10  }
0x38: {  	s10 =	sld [smem:$0x3FB2]  }
0x39: {  	_ = 	snop;
	(pc) =	sbr.ind lr, $3  }
0x3a: {  	_ = 	snop  }
0x3b: {  	_ = 	snop  }
0x3c: {  	p2 =	seq.s32 s10, $0x1;
	s10 =	sld [smem:$0x3FB1]  }
0x3d: {  	_ =	shalt  }
0x3e: {  	_ =	shalt  }
0x3f: {  	_ =	shalt  }
0x40: {  	_ =	shalt  }
0x41: {  	_ =	shalt  }
0x42: {  	_ =	shalt  }
0x43: {  	_ =	shalt  }
0x44: {  	_ =	shalt  }
0x45: {  	_ =	shalt  }
0x46: {  	_ =	shalt  }
0x47: {  	_ =	shalt  }
0x48: {  	_ =	shalt  }
0x49: {  	_ =	shalt  }
0x4a: {  	_ =	shalt  }
0x4b: {  	_ =	shalt  }
0x4c: {  	_ =	shalt  }
0x4d: {  	_ =	shalt  }
0x4e: {  	_ =	shalt  }
0x4f: {  	_ =	shalt  }
0x50: {  	_ =	shalt  }
0x51: {  	_ =	shalt  }
0x52: {  	_ =	shalt  }
0x53: {  	_ =	shalt  }
0x54: {  	_ =	shalt  }
0x55: {  	_ =	shalt  }
0x56: {  	_ =	shalt  }
0x57: {  	_ =	shalt  }
0x58: {  	_ =	shalt  }
0x59: {  	_ =	shalt  }
0x5a: {  	_ =	shalt  }
0x5b: {  	_ =	shalt  }
0x5c: {  	_ =	shalt  }
0x5d: {  	_ =	shalt  }
0x5e: {  	_ =	shalt  }
0x5f: {  	_ =	shalt  }
0x60: {  	_ =	shalt  }
0x61: {  	_ =	shalt  }
0x62: {  	_ =	shalt  }
0x63: {  	_ =	shalt  }
0x64: {  	_ =	shalt  }
0x65: {  	_ =	shalt  }
0x66: {  	_ =	shalt  }
0x67: {  	_ =	shalt  }
0x68: {  	_ =	shalt  }
0x69: {  	_ =	shalt  }
0x6a: {  	_ =	shalt  }
0x6b: {  	_ =	shalt  }
0x6c: {  	_ =	shalt  }
0x6d: {  	_ =	shalt  }
0x6e: {  	_ =	shalt  }
0x6f: {  	_ =	shalt  }
0x70: {  	_ =	shalt  }
0x71: {  	_ =	shalt  }
0x72: {  	_ =	shalt  }
0x73: {  	_ =	shalt  }
0x74: {  	_ =	shalt  }
0x75: {  	_ =	shalt  }
0x76: {  	_ =	shalt  }
0x77: {  	_ =	shalt  }
0x78: {  	_ =	shalt  }
0x79: {  	_ =	shalt  }
0x7a: {  	_ =	shalt  }
0x7b: {  	_ =	shalt  }
0x7c: {  	_ =	shalt  }
0x7d: {  	_ =	shalt  }
0x7e: {  	_ =	shalt  }
0x7f: {  	_ =	shalt  }
0x80: {  	_ =	shalt  }
0x81: {  	_ =	shalt  }
0x82: {  	_ =	shalt  }
0x83: {  	_ =	shalt  }
0x84: {  	_ =	shalt  }
0x85: {  	_ =	shalt  }
0x86: {  	_ =	shalt  }
0x87: {  	_ =	shalt  }
.Lfunc_end0:
.L_simem_size_0:
called_computation.1_lowered:
.L_overlay_start_0:
0x88: {  	s2 =	sld [smem:$0x3FD9]  }
0x89: {  	s3 =	sld [smem:$0x3FFE];
	_ =	sdelay $0x1  }
0x8a: {  	s1 =	srdreg.scid  }
0x8b: {  	s0 =	sand.u32 $0x1, s1  }
0x8c: {  	s17 =	sshll.u32 s0, $0xA;
	s2 =	sadd.s32 s3, s2  }
0x8d: {  	s2 =	sadd.s32 s2, s17  }
0x8e: {  	[smem:$0x3FBD] =	sst s2  }
0x8f: {  	_ = 	snop  }
0x90: {  	s2 =	sld [smem:$0x3FD0];
	(tm) =	ssettm $0x1  }
0x91: {  	s18 =	sld [smem:$0x3FFB];
	_ =	sdelay $0x3  }
0x92: {  	_ =	strace s18  }
0x93: {  	s3 =	sld [smem:$0x3FFC];
	_ =	sdelay $0x3  }
0x94: {  	_ =	strace s3  }
0x95: {  	s3 =	sld [smem:$0x3FFD];
	_ =	sdelay $0x3  }
0x96: {  	_ =	strace s3  }
0x97: {  	_ =	strace $0x8FFFFFFF  }
0x98: {  	s19 =	sld [smem:$0x3FDB];
	_ =	sdelay $0x1  }
0x99: {  	s4 =	simm.s32 $_scs_section_size  }
0x9a: {  	s5 =	simm.s32 $_size__tile_overlayer_lowered;
	s6 =	simm.s32 $_tile_overlayer_lowered  }
0x9b: {  	s22 =	simm.s32 $0x1BFF;
	s21 =	sshll.u32 s6, $0x1;
	s3 =	sadd.s32 s4, s19  }
0x9c: {  	s7 =	simm.s32 $0x0;
	s20 =	sshll.u32 s5, $0x1;
	s5 =	sadd.s32 s21, s3  }
0x9d: {  	[timem:s7], [sflag:s22] =	dma.local [hbm:s5], s20  }
0x9e: {  	_ =	swait.ge [sflag:s22], s20  }
0x9f: {  	s4 =	ssub.s32 $0x0, s20;
	[sflag:s22] =	ssyncset.done $0x0  }
0xa0: {  	[sflag:s22] =	ssyncadd.s32 s4;
	_ =	sdelay $0x1  }
0xa1: {  	s23 =	simm.s32 $0x1B8B  }
0xa2: {  	_ =	swait.ge [sflag:s23], $0x1  }
0xa3: {  	[sflag:s23] =	ssyncset.done $0x0  }
0xa4: {  	s25 =	simm.s32 $0x1B8E;
	s24 =	sld [smem:$0x3FFE];
	[sflag:s23] =	ssyncadd.s32 $0xFFFFFFFF  }
0xa5: {  	s26 =	simm.s32 $execute0_lowered;
	[smem:$0x3FD2] =	sst s25  }
0xa6: {  	s5 =	sshll.u32 s26, $0x1;
	_ =	strace $0x80000049;
	[dreg:$0x1] =	wrdreg $0xFFFFFFFF  }
0xa7: {  	s28 =	simm.s32 $_size_execute0_lowered;
	s3 =	sadd.s32 s3, s5;
	[dreg:$0x0] =	wrdreg $0x0  }
0xa8: {  	s5 =	sshll.u32 s28, $0x1;
	[dreg:$0x2] =	wrdreg s3  }
0xa9: {  	[dreg:$0x3] =	wrdreg s5  }
0xaa: {  	[dreg:$0x4] =	wrdreg $0xC0  }
0xab: {  	_ =	task [dreg:s7], $0x5FFFF  }
0xac: {  	[dreg:$0x1] =	wrdreg $0xFFFFFFFF  }
0xad: {  	[dreg:$0x0] =	wrdreg $0x60  }
0xae: {  	[dreg:$0x2] =	wrdreg s2  }
0xaf: {  	[dreg:$0x3] =	wrdreg s24  }
0xb0: {  	[dreg:$0x4] =	wrdreg $0x41000  }
0xb1: {  	[dreg:$0x5] =	wrdreg $0x9  }
0xb2: {  	_ =	task.clear_ibuf [dreg:s7], $0x6FFFF;
	_ =	strace $0x90000049  }
0xb3: {  	s29 =	simm.s32 $0x9;
	_ =	strace $0x8000004B  }
0xb4: {  	_ =	swait.ge [sflag:s29], $0x1  }
0xb5: {  	[sflag:s29] =	ssyncadd.s32 $0xFFFFFFFF  }
0xb6: {  	_ =	strace $0x9000004B  }
0xb7: {  	_ =	sfence  }
0xb8: {  	s30 =	sld [smem:$0x0];
	_ =	sdelay $0x2  }
0xb9: {  	s31 =	sshll.u32 s1, $0xD;
	s1 =	sshrl.u32 s1, $0x2  }
0xba: {  	s3 =	sand.u32 $0x4000, s31;
	s1 =	sadd.s32 s1, s30  }
0xbb: {  	s0 =	sor.u32 s3, s0;
	s1 =	sshll.u32 s1, $0x11  }
0xbc: {  	s0 =	sor.u32 s1, s0  }
0xbd: {  	s0 =	sadd.s32 $0x8F2B, s0  }
0xbe: {  	[sflag:s0] =	ssyncadd.remote.s32 $0x1  }
0xbf: {  	_ =	sfence.sel $0xFFFF  }
0xc0: {  	[dreg:$0x0] =	wrdreg $0xFFFFFFFF;
	(pc) =	sbr.abs _section_cstart, $3  }
0xc1: {  	[dreg:$0x1] =	wrdreg $0xFFFFFFFF  }
0xc2: {  	_ =	task.clear_ibuf [dreg:s7], $0x2FFFF;
	_ =	strace $0x9FFFFFFF  }
0xc3: {  	(tm) =	ssettm $0x7FFFFFFF  }
tec
execute0_lowered:
.L_overlay_start_1:
0x0: {  	(tag) =	ssettag $0x1  }
0x1: {  	s1 =	rddreg [dreg:$0x0]  }
0x2: {  	s6 =	rddreg [dreg:$0x1]  }
0x3: {  	s0 =	stileid.u32;
	s2 =	srdreg.scid  }
0x4: {  	s3 =	rddreg [dreg:$0x2];
	s13 =	simm.s32 $0x2;
	s4 =	smul.u32 $0x1E00, s0  }
0x5: {  	s14 =	simm.s32 $0x80;
	s15 =	simm.s32 $0x100;
	s5 =	smul.u32 $0x3100, s0  }
0x6: {  	s16 =	simm.s32 $0x1;
	s17 =	simm.s32 $0x0;
	s28 =	smul.u32 $0x13C00, s0  }
0x7: {  	s7 =	sand.u32 $0x1, s2;
	s2 =	rddreg [dreg:$0x3];
	s10 =	smul.u32 $0x4F000, s0  }
0x8: {  	s31 =	sshll.u32 s0, $0x6;
	p0 =	seq.s32 s7, $0x0;
	s9 =	smul.u32 $0x13C000, s7  }
0x9: {  	s7 =	ssub.s32 $0x2, s7;
	s8 =	sadd.s32 $0x31000, s4;
	s4 =	simm.s32 $0x0  }
0xa: {  	s29 =	sshrl.u32 s7, $0x1;
	s30 =	sshrl.u32 s10, $0x2;
	s8 =	smov.u32 @p0 s5  }
0xb: {  	[smem:$0x7FF] =	sst s4;
	s12 =	sadd.s32 s30, s3;
	s5 =	sshrl.u32 s8, $0x3  }
0xc: {  	_ =	strace $0x8000004A;
	s8 =	sadd.s32 s28, s9;
	s9 =	ssub.s32 s7, s29  }
0xd: {  	s7 =	sor.u32 $0x1C02, s31;
	s12 =	sshrl.u32 s12, $0x3;
	s11 =	sadd.s32 s5, s6  }
0xe: {  	s5 =	sadd.s32 $0x16A00, s6;
	s8 =	sshrl.u32 s8, $0x3;
	s9 =	smax.u32 s9, $0x1  }
0xf: {  	s8 =	sadd.s32 s8, s6;
	s6 =	simm.s32 $0x62;
	s10 =	sadd.s32 $0x2E00, s11  }
0x10: {  	s11 =	sadd.s32 $0xCC00, s11;
	s6 =	simm.s32 @!p0 $0x3C;
	s8 =	sadd.s32 $0x19200, s8  }
.LBB2_1:
0x11: {  	[spmem:s12], [sflag:s7] =	dma.local [hbm:s5], $0x2780  }
0x12: {  	_ =	swait.ge [sflag:s13], $0x2780  }
0x13: {  	[sflag:s13] =	ssyncset.done $0x0  }
0x14: {  	[sflag:s13] =	ssyncadd.s32 $0xFFFFD880  }
0x15: {  	[bflag:$0x0] =	sbarrier.arrive $0xFFFF  }
0x16: {  	[tilespmem:s4], [sflag:$0x2] =	stream.linear.gather [hbm4b:s11+s4], $0x80, $0x38;
	[tilespmem:$0x17D00] =	vst v63  }
0x17: {  	_ =	swait.ge [sflag:s13], $0x80  }
0x18: {  	[sflag:s13] =	ssyncset.done $0x0  }
0x19: {  	[sflag:s13] =	ssyncadd.s32 $0xFFFFFF80  }
0x1a: {  	[tilespmem:s14], [sflag:$0x2] =	stream.linear.gather [hbm4b:s10+s4], $0x80, $0x38;
	[tilespmem:$0x17D00] =	vst v63  }
0x1b: {  	_ =	swait.ge [sflag:s13], $0x80  }
0x1c: {  	[sflag:s13] =	ssyncset.done $0x0  }
0x1d: {  	[sflag:s13] =	ssyncadd.s32 $0xFFFFFF80  }
0x1e: {  	[tilespmem:s15], [sflag:$0x1] =	stream.indirect.gather [hbm4b:s1+s14], $0x80, s4, s14, $0xb8;
	[tilespmem:$0x17D00] =	vst v63  }
0x1f: {  	p0 =	sne.s32 s6, $0x1;
	_ =	swait.ge [sflag:s16], $0x4000  }
.Ltmp0:
0x20: {  	[sflag:s16] =	ssyncset.done $0x0;
	(pc) =	sbr.rel @!p0 .LBB2_3-.Ltmp0, $4  }
0x21: {  	[sflag:s16] =	ssyncadd.s32 $0xFFFFC000  }
0x22: {  	[spmem:s3] =	stream.indirect.scatter.add.f32 [tilespmem:s15], [sflag:$0x2], $0x80, s14, s14, $0xb8;
	[tilespmem:$0x17D00] =	vst v63  }
0x23: {  	s18 =	sadd.s32 $0xFFFFFFFF, s6;
	_ =	swait.ge [sflag:s13], $0x4000  }
0x24: {  	s19 =	smov.u32 s10;
	s20 =	smov.u32 s11;
	[sflag:s13] =	ssyncset.done $0x0  }
.LBB2_2:
0x25: {  	[sflag:s13] =	ssyncadd.s32 $0xFFFFC000;
	s19 =	sadd.s32 $0x10, s19;
	s20 =	sadd.s32 $0x10, s20  }
0x26: {  	[tilespmem:s4], [sflag:$0x2] =	stream.linear.gather [hbm4b:s20+s4], $0x80, $0x38;
	[tilespmem:$0x17D00] =	vst v63  }
0x27: {  	p0 =	sne.s32 s18, $0x1;
	s18 =	sadd.s32 $0xFFFFFFFF, s18;
	_ =	swait.ge [sflag:s13], $0x80  }
0x28: {  	[sflag:s13] =	ssyncset.done $0x0  }
0x29: {  	[sflag:s13] =	ssyncadd.s32 $0xFFFFFF80  }
0x2a: {  	[tilespmem:s14], [sflag:$0x2] =	stream.linear.gather [hbm4b:s19+s4], $0x80, $0x38;
	[tilespmem:$0x17D00] =	vst v63  }
0x2b: {  	_ =	swait.ge [sflag:s13], $0x80  }
0x2c: {  	[sflag:s13] =	ssyncset.done $0x0  }
0x2d: {  	[sflag:s13] =	ssyncadd.s32 $0xFFFFFF80  }
0x2e: {  	[tilespmem:s15], [sflag:$0x1] =	stream.indirect.gather [hbm4b:s1+s14], $0x80, s4, s14, $0xb8;
	[tilespmem:$0x17D00] =	vst v63  }
0x2f: {  	_ =	swait.ge [sflag:s16], $0x4000  }
.Ltmp1:
0x30: {  	[sflag:s16] =	ssyncset.done $0x0;
	(pc) =	sbr.rel @p0 .LBB2_2-.Ltmp1, $4  }
0x31: {  	[sflag:s16] =	ssyncadd.s32 $0xFFFFC000  }
0x32: {  	[spmem:s3] =	stream.indirect.scatter.add.f32 [tilespmem:s15], [sflag:$0x2], $0x80, s14, s14, $0xb8;
	[tilespmem:$0x17D00] =	vst v63  }
0x33: {  	_ =	swait.ge [sflag:s13], $0x4000  }
0x34: {  	[sflag:s13] =	ssyncset.done $0x0  }
.LBB2_3:
0x35: {  	s17 =	sadd.s32 $0x1, s17  }
0x36: {  	[sflag:s13] =	ssyncadd.s32 $0xFFFFC000;
	p0 =	sne.s32 s17, s9  }
.Ltmp2:
0x37: {  	[bflag:$0x0] =	sbarrier.arrive $0xFFFF;
	(pc) =	sbr.rel @p0 .LBB2_1-.Ltmp2, $4  }
0x38: {  	[hbm:s8], [sflag:s7] =	dma.local [spmem:s12], $0x2780  }
0x39: {  	_ =	swait.ge [sflag:s13], $0x2780  }
0x3a: {  	[sflag:s13] =	ssyncset.done $0x0  }
0x3b: {  	[sflag:s13] =	ssyncadd.s32 $0xFFFFD880  }
0x3c: {  	_ =	sfence.sel $0x180000  }
0x3d: {  	[bflag:$0x0] =	sbarrier.arrive $0xFFFF  }
0x3e: {  	p0 =	sne.s32 s0, $0x0;
	_ =	strace $0x9000004A  }
0x3f: {  	s0 =	sadd.s32 @!p0 $0x100000, s2;
	[bflag:$0x2] =	sbarrier.arrive $0xFFFF  }
0x40: {  	[sflag:s0] =	ssyncadd.tile.s32 @!p0 $0x1;
	_ =	shalt  }
.Lfunc_end2:
_tile_overlayer_lowered:
.L_overlay_start_2:
0x41: {  	(tag) =	ssettag $0x2  }
0x42: {  	s0 =	rddreg [dreg:$0x0];
	s2 =	stileid.u32  }
0x43: {  	s1 =	rddreg [dreg:$0x1];
	p0 =	sne.s32 s2, $0x0  }
0x44: {  	s3 =	rddreg [dreg:$0x2];
	[bflag:$0x3] =	sbarrier.arrive $0xFFFF;
	s2 =	simm.s32 @!p0 $0x1C02  }
0x45: {  	[timem:s3], [sflag:s2] =	dma.local @!p0 [hbm:s0], s1  }
0x46: {  	s0 =	simm.s32 @!p0 $0x2  }
0x47: {  	_ =	swait.ge @!p0 [sflag:s0], s1  }
0x48: {  	s1 =	ssub.s32 @!p0 $0x0, s1;
	[sflag:s0] =	ssyncset.done @!p0 $0x0  }
0x49: {  	[sflag:s0] =	ssyncadd.s32 @!p0 s1  }
0x4a: {  	[bflag:$0x3] =	sbarrier.arrive $0xFFFF  }
0x4b: {  	_ =	shalt  }

// kernel: sage_edge_agg.7.cloned.1.call-start
scs
__scs_entry_jumppad:
0x0: {  	(pc) =	sbr.rel $0x88, $3  }
0x1: {  	(tag) =	ssettag $0x0;
	lr =	simm.s32 $0x1  }
0x2: {  	[smem:$0x3F96] =	sst lr;
	_ =	strace $0xD0000000  }
0x3: {  	_ = 	snop  }
0x4: {  	_ = 	snop  }
0x5: {  	_ = 	snop  }
0x6: {  	_ = 	snop  }
0x7: {  	_ = 	snop  }
__scs_overlays_trampoline_lowered:
0x8: {  	[smem:$0x3FA5] =	sst s0  }
0x9: {  	[smem:$0x3FA6] =	sst s1  }
0xa: {  	[smem:$0x3FA7] =	sst s2  }
0xb: {  	[smem:$0x3FA8] =	sst s3  }
0xc: {  	[smem:$0x3FA9] =	sst s4  }
0xd: {  	[smem:$0x3FAA] =	sst s5  }
0xe: {  	[smem:$0x3FAB] =	sst s6  }
0xf: {  	[smem:$0x3FAC] =	sst s7  }
0x10: {  	[smem:$0x3FAD] =	sst s8  }
0x11: {  	[smem:$0x3FAE] =	sst s9;
	s0 =	simm.s32 @!p0 $0x0  }
0x12: {  	s1 =	sld [smem:$0x3F94];
	s0 =	simm.s32 @p0 $0x1  }
0x13: {  	[smem:$0x3FAF] =	sst s0;
	s0 =	simm.s32 @!p1 $0x0  }
0x14: {  	s2 =	sld [smem:$0x3F93];
	s0 =	simm.s32 @p1 $0x1  }
0x15: {  	[smem:$0x3FB0] =	sst s0;
	s0 =	simm.s32 @!p2 $0x0  }
0x16: {  	s3 =	sld [smem:$0x3FDB];
	s0 =	simm.s32 @p2 $0x1  }
0x17: {  	s4 =	simm.s32 $0x1BF5;
	[smem:$0x3FB2] =	sst s0  }
0x18: {  	s0 =	sld [smem:$0x3F95];
	_ =	swait.ge [sflag:s4], $0x0  }
0x19: {  	s7 =	sld [smem:$0x3F96]  }
0x1a: {  	s8 =	sadd.s32 $0xFFFFE003, lr  }
0x1b: {  	s9 =	sadd.s32 $0xFFFFFEF7, lr;
	s5 =	simm.s32 $0xFFFFFFFF;
	p2 =	slt.u32 s8, $0xFFFFF086  }
0x1c: {  	p1 =	slt.u32 s9, $0xF7A;
	s5 =	simm.s32 @!p2 $0x0  }
0x1d: {  	s5 =	simm.s32 @p1 $0x1;
	p0 =	seq.s32 s7, s2  }
0x1e: {  	s7 =	smul.u32 @!p0 $0xF7A, s2;
	p2 =	seq.s32 @!p0 s5, $0x0  }
0x1f: {  	s9 =	smul.u32 $0xF7A, s1;
	s8 =	simm.s32 @!p0 $0x1BF5;
	p2 =	por !p2, p0  }
0x20: {  	[sflag:s8] =	ssyncset.s32 @!p0 $0xFFFFF086;
	s6 =	sadd.s32 @!p0 s3, s7;
	s7 =	simm.s32 @!p0 $0x108  }
0x21: {  	s3 =	sadd.s32 s3, s9;
	s6 =	sadd.s32 @!p0 $0x88, s6;
	s7 =	simm.s32 @p2 $0x1082  }
0x22: {  	[simem:s7], [sflag:s8] =	dma.local @!p0 [hbm:s6], $0xF7A  }
0x23: {  	s9 =	sor.u32 $0xD0000000, s2;
	s6 =	simm.s32 $0x108;
	_ =	swait.ge @!p0 [sflag:s8], $0x0  }
0x24: {  	s3 =	sadd.s32 $0x88, s3;
	s6 =	simm.s32 @!p1 $0x1082;
	[sflag:s4] =	ssyncset.s32 $0xFFFFF086  }
0x25: {  	[simem:s6], [sflag:s4] =	dma.local [hbm:s3], $0xF7A  }
0x26: {  	[smem:$0x3F96] =	sst s1;
	(tag) =	ssettag s2;
	_ =	strace s9  }
0x27: {  	s1 =	sld [smem:$0x3FA6]  }
0x28: {  	s2 =	sld [smem:$0x3FA7]  }
0x29: {  	s4 =	sld [smem:$0x3FA9]  }
0x2a: {  	p0 =	seq.s32 s5, $0x0;
	s5 =	sld [smem:$0x3FAA]  }
0x2b: {  	s6 =	sld [smem:$0x3FAB]  }
0x2c: {  	s7 =	sld [smem:$0x3FAC]  }
0x2d: {  	s3 =	simm.s32 $0x108;
	s8 =	sld [smem:$0x3FAD]  }
0x2e: {  	s3 =	simm.s32 @!p0 $0x1082;
	s9 =	sld [smem:$0x3FAE]  }
0x2f: {  	lr =	sadd.s32 s0, s3;
	s0 =	sld [smem:$0x3FA5]  }
0x30: {  	s3 =	sld [smem:$0x3FA8]  }
0x31: {  	[smem:$0x3FB1] =	sst s10  }
0x32: {  	s10 =	sld [smem:$0x3FAF];
	_ =	sdelay $0x3  }
0x33: {  	p0 =	seq.s32 s10, $0x1;
	s10 =	sld [smem:$0x3FB1];
	_ =	sdelay $0x3  }
0x34: {  	[smem:$0x3FB1] =	sst s10  }
0x35: {  	s10 =	sld [smem:$0x3FB0];
	_ =	sdelay $0x3  }
0x36: {  	p1 =	seq.s32 s10, $0x1;
	s10 =	sld [smem:$0x3FB1];
	_ =	sdelay $0x3  }
0x37: {  	[smem:$0x3FB1] =	sst s10  }
0x38: {  	s10 =	sld [smem:$0x3FB2]  }
0x39: {  	_ = 	snop;
	(pc) =	sbr.ind lr, $3  }
0x3a: {  	_ = 	snop  }
0x3b: {  	_ = 	snop  }
0x3c: {  	p2 =	seq.s32 s10, $0x1;
	s10 =	sld [smem:$0x3FB1]  }
0x3d: {  	_ =	shalt  }
0x3e: {  	_ =	shalt  }
0x3f: {  	_ =	shalt  }
0x40: {  	_ =	shalt  }
0x41: {  	_ =	shalt  }
0x42: {  	_ =	shalt  }
0x43: {  	_ =	shalt  }
0x44: {  	_ =	shalt  }
0x45: {  	_ =	shalt  }
0x46: {  	_ =	shalt  }
0x47: {  	_ =	shalt  }
0x48: {  	_ =	shalt  }
0x49: {  	_ =	shalt  }
0x4a: {  	_ =	shalt  }
0x4b: {  	_ =	shalt  }
0x4c: {  	_ =	shalt  }
0x4d: {  	_ =	shalt  }
0x4e: {  	_ =	shalt  }
0x4f: {  	_ =	shalt  }
0x50: {  	_ =	shalt  }
0x51: {  	_ =	shalt  }
0x52: {  	_ =	shalt  }
0x53: {  	_ =	shalt  }
0x54: {  	_ =	shalt  }
0x55: {  	_ =	shalt  }
0x56: {  	_ =	shalt  }
0x57: {  	_ =	shalt  }
0x58: {  	_ =	shalt  }
0x59: {  	_ =	shalt  }
0x5a: {  	_ =	shalt  }
0x5b: {  	_ =	shalt  }
0x5c: {  	_ =	shalt  }
0x5d: {  	_ =	shalt  }
0x5e: {  	_ =	shalt  }
0x5f: {  	_ =	shalt  }
0x60: {  	_ =	shalt  }
0x61: {  	_ =	shalt  }
0x62: {  	_ =	shalt  }
0x63: {  	_ =	shalt  }
0x64: {  	_ =	shalt  }
0x65: {  	_ =	shalt  }
0x66: {  	_ =	shalt  }
0x67: {  	_ =	shalt  }
0x68: {  	_ =	shalt  }
0x69: {  	_ =	shalt  }
0x6a: {  	_ =	shalt  }
0x6b: {  	_ =	shalt  }
0x6c: {  	_ =	shalt  }
0x6d: {  	_ =	shalt  }
0x6e: {  	_ =	shalt  }
0x6f: {  	_ =	shalt  }
0x70: {  	_ =	shalt  }
0x71: {  	_ =	shalt  }
0x72: {  	_ =	shalt  }
0x73: {  	_ =	shalt  }
0x74: {  	_ =	shalt  }
0x75: {  	_ =	shalt  }
0x76: {  	_ =	shalt  }
0x77: {  	_ =	shalt  }
0x78: {  	_ =	shalt  }
0x79: {  	_ =	shalt  }
0x7a: {  	_ =	shalt  }
0x7b: {  	_ =	shalt  }
0x7c: {  	_ =	shalt  }
0x7d: {  	_ =	shalt  }
0x7e: {  	_ =	shalt  }
0x7f: {  	_ =	shalt  }
0x80: {  	_ =	shalt  }
0x81: {  	_ =	shalt  }
0x82: {  	_ =	shalt  }
0x83: {  	_ =	shalt  }
0x84: {  	_ =	shalt  }
0x85: {  	_ =	shalt  }
0x86: {  	_ =	shalt  }
0x87: {  	_ =	shalt  }
.Lfunc_end0:
.L_simem_size_0:
called_computation.2_lowered:
.L_overlay_start_0:
0x88: {  	s2 =	sld [smem:$0x3FD9]  }
0x89: {  	s3 =	sld [smem:$0x3FFE];
	_ =	sdelay $0x1  }
0x8a: {  	s1 =	srdreg.scid  }
0x8b: {  	s0 =	sand.u32 $0x1, s1  }
0x8c: {  	s17 =	sshll.u32 s0, $0xA;
	s2 =	sadd.s32 s3, s2  }
0x8d: {  	s2 =	sadd.s32 s2, s17  }
0x8e: {  	[smem:$0x3FBD] =	sst s2  }
0x8f: {  	_ = 	snop  }
0x90: {  	s2 =	sld [smem:$0x3FD0];
	(tm) =	ssettm $0x1  }
0x91: {  	s18 =	sld [smem:$0x3FFB];
	_ =	sdelay $0x3  }
0x92: {  	_ =	strace s18  }
0x93: {  	s3 =	sld [smem:$0x3FFC];
	_ =	sdelay $0x3  }
0x94: {  	_ =	strace s3  }
0x95: {  	s3 =	sld [smem:$0x3FFD];
	_ =	sdelay $0x3  }
0x96: {  	_ =	strace s3  }
0x97: {  	_ =	strace $0x8FFFFFFF  }
0x98: {  	s19 =	sld [smem:$0x3FDB];
	_ =	sdelay $0x1  }
0x99: {  	s4 =	simm.s32 $_scs_section_size  }
0x9a: {  	s5 =	simm.s32 $_size__tile_overlayer_lowered;
	s6 =	simm.s32 $_tile_overlayer_lowered  }
0x9b: {  	s22 =	simm.s32 $0x1BFF;
	s21 =	sshll.u32 s6, $0x1;
	s3 =	sadd.s32 s4, s19  }
0x9c: {  	s7 =	simm.s32 $0x0;
	s20 =	sshll.u32 s5, $0x1;
	s5 =	sadd.s32 s21, s3  }
0x9d: {  	[timem:s7], [sflag:s22] =	dma.local [hbm:s5], s20  }
0x9e: {  	_ =	swait.ge [sflag:s22], s20  }
0x9f: {  	s4 =	ssub.s32 $0x0, s20;
	[sflag:s22] =	ssyncset.done $0x0  }
0xa0: {  	[sflag:s22] =	ssyncadd.s32 s4;
	_ =	sdelay $0x1  }
0xa1: {  	s23 =	simm.s32 $0x1B8B  }
0xa2: {  	_ =	swait.ge [sflag:s23], $0x1  }
0xa3: {  	[sflag:s23] =	ssyncset.done $0x0  }
0xa4: {  	s25 =	simm.s32 $0x1B8E;
	s24 =	sld [smem:$0x3FFE];
	[sflag:s23] =	ssyncadd.s32 $0xFFFFFFFF  }
0xa5: {  	s26 =	simm.s32 $execute0_lowered;
	[smem:$0x3FD2] =	sst s25  }
0xa6: {  	s5 =	sshll.u32 s26, $0x1;
	_ =	strace $0x8000004C;
	[dreg:$0x1] =	wrdreg $0xFFFFFFFF  }
0xa7: {  	s28 =	simm.s32 $_size_execute0_lowered;
	s3 =	sadd.s32 s3, s5;
	[dreg:$0x0] =	wrdreg $0x0  }
0xa8: {  	s5 =	sshll.u32 s28, $0x1;
	[dreg:$0x2] =	wrdreg s3  }
0xa9: {  	[dreg:$0x3] =	wrdreg s5  }
0xaa: {  	[dreg:$0x4] =	wrdreg $0xC0  }
0xab: {  	_ =	task [dreg:s7], $0x5FFFF  }
0xac: {  	[dreg:$0x1] =	wrdreg $0xFFFFFFFF  }
0xad: {  	[dreg:$0x0] =	wrdreg $0x60  }
0xae: {  	[dreg:$0x2] =	wrdreg s2  }
0xaf: {  	[dreg:$0x3] =	wrdreg s24  }
0xb0: {  	[dreg:$0x4] =	wrdreg $0x41000  }
0xb1: {  	[dreg:$0x5] =	wrdreg $0x9  }
0xb2: {  	_ =	task.clear_ibuf [dreg:s7], $0x6FFFF;
	_ =	strace $0x9000004C  }
0xb3: {  	s29 =	simm.s32 $0x9;
	_ =	strace $0x8000004E  }
0xb4: {  	_ =	swait.ge [sflag:s29], $0x1  }
0xb5: {  	[sflag:s29] =	ssyncadd.s32 $0xFFFFFFFF  }
0xb6: {  	_ =	strace $0x9000004E  }
0xb7: {  	_ =	sfence  }
0xb8: {  	s30 =	sld [smem:$0x0];
	_ =	sdelay $0x2  }
0xb9: {  	s31 =	sshll.u32 s1, $0xD;
	s1 =	sshrl.u32 s1, $0x2  }
0xba: {  	s3 =	sand.u32 $0x4000, s31;
	s1 =	sadd.s32 s1, s30  }
0xbb: {  	s0 =	sor.u32 s3, s0;
	s1 =	sshll.u32 s1, $0x11  }
0xbc: {  	s0 =	sor.u32 s1, s0  }
0xbd: {  	s0 =	sadd.s32 $0x8F2B, s0  }
0xbe: {  	[sflag:s0] =	ssyncadd.remote.s32 $0x1  }
0xbf: {  	_ =	sfence.sel $0xFFFF  }
0xc0: {  	[dreg:$0x0] =	wrdreg $0xFFFFFFFF;
	(pc) =	sbr.abs _section_cstart, $3  }
0xc1: {  	[dreg:$0x1] =	wrdreg $0xFFFFFFFF  }
0xc2: {  	_ =	task.clear_ibuf [dreg:s7], $0x2FFFF;
	_ =	strace $0x9FFFFFFF  }
0xc3: {  	(tm) =	ssettm $0x7FFFFFFF  }
tec
execute0_lowered:
.L_overlay_start_1:
0x0: {  	(tag) =	ssettag $0x1  }
0x1: {  	s1 =	rddreg [dreg:$0x0]  }
0x2: {  	s6 =	rddreg [dreg:$0x1]  }
0x3: {  	s0 =	stileid.u32;
	s2 =	srdreg.scid  }
0x4: {  	s3 =	rddreg [dreg:$0x2];
	s13 =	simm.s32 $0x2;
	s4 =	smul.u32 $0x1E00, s0  }
0x5: {  	s14 =	simm.s32 $0x80;
	s15 =	simm.s32 $0x100;
	s5 =	smul.u32 $0x3100, s0  }
0x6: {  	s16 =	simm.s32 $0x1;
	s17 =	simm.s32 $0x0;
	s28 =	smul.u32 $0x13C00, s0  }
0x7: {  	s7 =	sand.u32 $0x1, s2;
	s2 =	rddreg [dreg:$0x3];
	s10 =	smul.u32 $0x4F000, s0  }
0x8: {  	s31 =	sshll.u32 s0, $0x6;
	p0 =	seq.s32 s7, $0x0;
	s9 =	smul.u32 $0x13C000, s7  }
0x9: {  	s7 =	ssub.s32 $0x2, s7;
	s8 =	sadd.s32 $0x31000, s4;
	s4 =	simm.s32 $0x0  }
0xa: {  	s29 =	sshrl.u32 s7, $0x1;
	s30 =	sshrl.u32 s10, $0x2;
	s8 =	smov.u32 @p0 s5  }
0xb: {  	[smem:$0x7FF] =	sst s4;
	s12 =	sadd.s32 s30, s3;
	s5 =	sshrl.u32 s8, $0x3  }
0xc: {  	_ =	strace $0x8000004D;
	s8 =	sadd.s32 s28, s9;
	s9 =	ssub.s32 s7, s29  }
0xd: {  	s7 =	sor.u32 $0x1C02, s31;
	s12 =	sshrl.u32 s12, $0x3;
	s11 =	sadd.s32 s5, s6  }
0xe: {  	s5 =	sadd.s32 $0x16A00, s6;
	s8 =	sshrl.u32 s8, $0x3;
	s9 =	smax.u32 s9, $0x1  }
0xf: {  	s8 =	sadd.s32 s8, s6;
	s6 =	simm.s32 $0x62;
	s10 =	sadd.s32 $0x2E00, s11  }
0x10: {  	s11 =	sadd.s32 $0xCC00, s11;
	s6 =	simm.s32 @!p0 $0x3C;
	s8 =	sadd.s32 $0x19200, s8  }
.LBB2_1:
0x11: {  	[spmem:s12], [sflag:s7] =	dma.local [hbm:s5], $0x2780  }
0x12: {  	_ =	swait.ge [sflag:s13], $0x2780  }
0x13: {  	[sflag:s13] =	ssyncset.done $0x0  }
0x14: {  	[sflag:s13] =	ssyncadd.s32 $0xFFFFD880  }
0x15: {  	[bflag:$0x0] =	sbarrier.arrive $0xFFFF  }
0x16: {  	[tilespmem:s4], [sflag:$0x2] =	stream.linear.gather [hbm4b:s11+s4], $0x80, $0x38;
	[tilespmem:$0x17D00] =	vst v63  }
0x17: {  	_ =	swait.ge [sflag:s13], $0x80  }
0x18: {  	[sflag:s13] =	ssyncset.done $0x0  }
0x19: {  	[sflag:s13] =	ssyncadd.s32 $0xFFFFFF80  }
0x1a: {  	[tilespmem:s14], [sflag:$0x2] =	stream.linear.gather [hbm4b:s10+s4], $0x80, $0x38;
	[tilespmem:$0x17D00] =	vst v63  }
0x1b: {  	_ =	swait.ge [sflag:s13], $0x80  }
0x1c: {  	[sflag:s13] =	ssyncset.done $0x0  }
0x1d: {  	[sflag:s13] =	ssyncadd.s32 $0xFFFFFF80  }
0x1e: {  	[tilespmem:s15], [sflag:$0x1] =	stream.indirect.gather [hbm4b:s1+s14], $0x80, s4, s14, $0xb8;
	[tilespmem:$0x17D00] =	vst v63  }
0x1f: {  	p0 =	sne.s32 s6, $0x1;
	_ =	swait.ge [sflag:s16], $0x4000  }
.Ltmp0:
0x20: {  	[sflag:s16] =	ssyncset.done $0x0;
	(pc) =	sbr.rel @!p0 .LBB2_3-.Ltmp0, $4  }
0x21: {  	[sflag:s16] =	ssyncadd.s32 $0xFFFFC000  }
0x22: {  	[spmem:s3] =	stream.indirect.scatter.add.f32 [tilespmem:s15], [sflag:$0x2], $0x80, s14, s14, $0xb8;
	[tilespmem:$0x17D00] =	vst v63  }
0x23: {  	s18 =	sadd.s32 $0xFFFFFFFF, s6;
	_ =	swait.ge [sflag:s13], $0x4000  }
0x24: {  	s19 =	smov.u32 s10;
	s20 =	smov.u32 s11;
	[sflag:s13] =	ssyncset.done $0x0  }
.LBB2_2:
0x25: {  	[sflag:s13] =	ssyncadd.s32 $0xFFFFC000;
	s19 =	sadd.s32 $0x10, s19;
	s20 =	sadd.s32 $0x10, s20  }
0x26: {  	[tilespmem:s4], [sflag:$0x2] =	stream.linear.gather [hbm4b:s20+s4], $0x80, $0x38;
	[tilespmem:$0x17D00] =	vst v63  }
0x27: {  	p0 =	sne.s32 s18, $0x1;
	s18 =	sadd.s32 $0xFFFFFFFF, s18;
	_ =	swait.ge [sflag:s13], $0x80  }
0x28: {  	[sflag:s13] =	ssyncset.done $0x0  }
0x29: {  	[sflag:s13] =	ssyncadd.s32 $0xFFFFFF80  }
0x2a: {  	[tilespmem:s14], [sflag:$0x2] =	stream.linear.gather [hbm4b:s19+s4], $0x80, $0x38;
	[tilespmem:$0x17D00] =	vst v63  }
0x2b: {  	_ =	swait.ge [sflag:s13], $0x80  }
0x2c: {  	[sflag:s13] =	ssyncset.done $0x0  }
0x2d: {  	[sflag:s13] =	ssyncadd.s32 $0xFFFFFF80  }
0x2e: {  	[tilespmem:s15], [sflag:$0x1] =	stream.indirect.gather [hbm4b:s1+s14], $0x80, s4, s14, $0xb8;
	[tilespmem:$0x17D00] =	vst v63  }
0x2f: {  	_ =	swait.ge [sflag:s16], $0x4000  }
.Ltmp1:
0x30: {  	[sflag:s16] =	ssyncset.done $0x0;
	(pc) =	sbr.rel @p0 .LBB2_2-.Ltmp1, $4  }
0x31: {  	[sflag:s16] =	ssyncadd.s32 $0xFFFFC000  }
0x32: {  	[spmem:s3] =	stream.indirect.scatter.add.f32 [tilespmem:s15], [sflag:$0x2], $0x80, s14, s14, $0xb8;
	[tilespmem:$0x17D00] =	vst v63  }
0x33: {  	_ =	swait.ge [sflag:s13], $0x4000  }
0x34: {  	[sflag:s13] =	ssyncset.done $0x0  }
.LBB2_3:
0x35: {  	s17 =	sadd.s32 $0x1, s17  }
0x36: {  	[sflag:s13] =	ssyncadd.s32 $0xFFFFC000;
	p0 =	sne.s32 s17, s9  }
.Ltmp2:
0x37: {  	[bflag:$0x0] =	sbarrier.arrive $0xFFFF;
	(pc) =	sbr.rel @p0 .LBB2_1-.Ltmp2, $4  }
0x38: {  	[hbm:s8], [sflag:s7] =	dma.local [spmem:s12], $0x2780  }
0x39: {  	_ =	swait.ge [sflag:s13], $0x2780  }
0x3a: {  	[sflag:s13] =	ssyncset.done $0x0  }
0x3b: {  	[sflag:s13] =	ssyncadd.s32 $0xFFFFD880  }
0x3c: {  	_ =	sfence.sel $0x180000  }
0x3d: {  	[bflag:$0x0] =	sbarrier.arrive $0xFFFF  }
0x3e: {  	p0 =	sne.s32 s0, $0x0;
	_ =	strace $0x9000004D  }
0x3f: {  	s0 =	sadd.s32 @!p0 $0x100000, s2;
	[bflag:$0x2] =	sbarrier.arrive $0xFFFF  }
0x40: {  	[sflag:s0] =	ssyncadd.tile.s32 @!p0 $0x1;
	_ =	shalt  }
.Lfunc_end2:
_tile_overlayer_lowered:
.L_overlay_start_2:
0x41: {  	(tag) =	ssettag $0x2  }
0x42: {  	s0 =	rddreg [dreg:$0x0];
	s2 =	stileid.u32  }
0x43: {  	s1 =	rddreg [dreg:$0x1];
	p0 =	sne.s32 s2, $0x0  }
0x44: {  	s3 =	rddreg [dreg:$0x2];
	[bflag:$0x3] =	sbarrier.arrive $0xFFFF;
	s2 =	simm.s32 @!p0 $0x1C02  }
0x45: {  	[timem:s3], [sflag:s2] =	dma.local @!p0 [hbm:s0], s1  }
0x46: {  	s0 =	simm.s32 @!p0 $0x2  }
0x47: {  	_ =	swait.ge @!p0 [sflag:s0], s1  }
0x48: {  	s1 =	ssub.s32 @!p0 $0x0, s1;
	[sflag:s0] =	ssyncset.done @!p0 $0x0  }
0x49: {  	[sflag:s0] =	ssyncadd.s32 @!p0 s1  }
0x4a: {  	[bflag:$0x3] =	sbarrier.arrive $0xFFFF  }
0x4b: {  	_ =	shalt  }

// kernel: sage_edge_agg_cnt.3.cloned.1.call-start
scs
__scs_entry_jumppad:
0x0: {  	(pc) =	sbr.rel $0x88, $3  }
0x1: {  	(tag) =	ssettag $0x0;
	lr =	simm.s32 $0x1  }
0x2: {  	[smem:$0x3F96] =	sst lr;
	_ =	strace $0xD0000000  }
0x3: {  	_ = 	snop  }
0x4: {  	_ = 	snop  }
0x5: {  	_ = 	snop  }
0x6: {  	_ = 	snop  }
0x7: {  	_ = 	snop  }
__scs_overlays_trampoline_lowered:
0x8: {  	[smem:$0x3FA5] =	sst s0  }
0x9: {  	[smem:$0x3FA6] =	sst s1  }
0xa: {  	[smem:$0x3FA7] =	sst s2  }
0xb: {  	[smem:$0x3FA8] =	sst s3  }
0xc: {  	[smem:$0x3FA9] =	sst s4  }
0xd: {  	[smem:$0x3FAA] =	sst s5  }
0xe: {  	[smem:$0x3FAB] =	sst s6  }
0xf: {  	[smem:$0x3FAC] =	sst s7  }
0x10: {  	[smem:$0x3FAD] =	sst s8  }
0x11: {  	[smem:$0x3FAE] =	sst s9;
	s0 =	simm.s32 @!p0 $0x0  }
0x12: {  	s1 =	sld [smem:$0x3F94];
	s0 =	simm.s32 @p0 $0x1  }
0x13: {  	[smem:$0x3FAF] =	sst s0;
	s0 =	simm.s32 @!p1 $0x0  }
0x14: {  	s2 =	sld [smem:$0x3F93];
	s0 =	simm.s32 @p1 $0x1  }
0x15: {  	[smem:$0x3FB0] =	sst s0;
	s0 =	simm.s32 @!p2 $0x0  }
0x16: {  	s3 =	sld [smem:$0x3FDB];
	s0 =	simm.s32 @p2 $0x1  }
0x17: {  	s4 =	simm.s32 $0x1BF5;
	[smem:$0x3FB2] =	sst s0  }
0x18: {  	s0 =	sld [smem:$0x3F95];
	_ =	swait.ge [sflag:s4], $0x0  }
0x19: {  	s7 =	sld [smem:$0x3F96]  }
0x1a: {  	s8 =	sadd.s32 $0xFFFFE003, lr  }
0x1b: {  	s9 =	sadd.s32 $0xFFFFFEF7, lr;
	s5 =	simm.s32 $0xFFFFFFFF;
	p2 =	slt.u32 s8, $0xFFFFF086  }
0x1c: {  	p1 =	slt.u32 s9, $0xF7A;
	s5 =	simm.s32 @!p2 $0x0  }
0x1d: {  	s5 =	simm.s32 @p1 $0x1;
	p0 =	seq.s32 s7, s2  }
0x1e: {  	s7 =	smul.u32 @!p0 $0xF7A, s2;
	p2 =	seq.s32 @!p0 s5, $0x0  }
0x1f: {  	s9 =	smul.u32 $0xF7A, s1;
	s8 =	simm.s32 @!p0 $0x1BF5;
	p2 =	por !p2, p0  }
0x20: {  	[sflag:s8] =	ssyncset.s32 @!p0 $0xFFFFF086;
	s6 =	sadd.s32 @!p0 s3, s7;
	s7 =	simm.s32 @!p0 $0x108  }
0x21: {  	s3 =	sadd.s32 s3, s9;
	s6 =	sadd.s32 @!p0 $0x88, s6;
	s7 =	simm.s32 @p2 $0x1082  }
0x22: {  	[simem:s7], [sflag:s8] =	dma.local @!p0 [hbm:s6], $0xF7A  }
0x23: {  	s9 =	sor.u32 $0xD0000000, s2;
	s6 =	simm.s32 $0x108;
	_ =	swait.ge @!p0 [sflag:s8], $0x0  }
0x24: {  	s3 =	sadd.s32 $0x88, s3;
	s6 =	simm.s32 @!p1 $0x1082;
	[sflag:s4] =	ssyncset.s32 $0xFFFFF086  }
0x25: {  	[simem:s6], [sflag:s4] =	dma.local [hbm:s3], $0xF7A  }
0x26: {  	[smem:$0x3F96] =	sst s1;
	(tag) =	ssettag s2;
	_ =	strace s9  }
0x27: {  	s1 =	sld [smem:$0x3FA6]  }
0x28: {  	s2 =	sld [smem:$0x3FA7]  }
0x29: {  	s4 =	sld [smem:$0x3FA9]  }
0x2a: {  	p0 =	seq.s32 s5, $0x0;
	s5 =	sld [smem:$0x3FAA]  }
0x2b: {  	s6 =	sld [smem:$0x3FAB]  }
0x2c: {  	s7 =	sld [smem:$0x3FAC]  }
0x2d: {  	s3 =	simm.s32 $0x108;
	s8 =	sld [smem:$0x3FAD]  }
0x2e: {  	s3 =	simm.s32 @!p0 $0x1082;
	s9 =	sld [smem:$0x3FAE]  }
0x2f: {  	lr =	sadd.s32 s0, s3;
	s0 =	sld [smem:$0x3FA5]  }
0x30: {  	s3 =	sld [smem:$0x3FA8]  }
0x31: {  	[smem:$0x3FB1] =	sst s10  }
0x32: {  	s10 =	sld [smem:$0x3FAF];
	_ =	sdelay $0x3  }
0x33: {  	p0 =	seq.s32 s10, $0x1;
	s10 =	sld [smem:$0x3FB1];
	_ =	sdelay $0x3  }
0x34: {  	[smem:$0x3FB1] =	sst s10  }
0x35: {  	s10 =	sld [smem:$0x3FB0];
	_ =	sdelay $0x3  }
0x36: {  	p1 =	seq.s32 s10, $0x1;
	s10 =	sld [smem:$0x3FB1];
	_ =	sdelay $0x3  }
0x37: {  	[smem:$0x3FB1] =	sst s10  }
0x38: {  	s10 =	sld [smem:$0x3FB2]  }
0x39: {  	_ = 	snop;
	(pc) =	sbr.ind lr, $3  }
0x3a: {  	_ = 	snop  }
0x3b: {  	_ = 	snop  }
0x3c: {  	p2 =	seq.s32 s10, $0x1;
	s10 =	sld [smem:$0x3FB1]  }
0x3d: {  	_ =	shalt  }
0x3e: {  	_ =	shalt  }
0x3f: {  	_ =	shalt  }
0x40: {  	_ =	shalt  }
0x41: {  	_ =	shalt  }
0x42: {  	_ =	shalt  }
0x43: {  	_ =	shalt  }
0x44: {  	_ =	shalt  }
0x45: {  	_ =	shalt  }
0x46: {  	_ =	shalt  }
0x47: {  	_ =	shalt  }
0x48: {  	_ =	shalt  }
0x49: {  	_ =	shalt  }
0x4a: {  	_ =	shalt  }
0x4b: {  	_ =	shalt  }
0x4c: {  	_ =	shalt  }
0x4d: {  	_ =	shalt  }
0x4e: {  	_ =	shalt  }
0x4f: {  	_ =	shalt  }
0x50: {  	_ =	shalt  }
0x51: {  	_ =	shalt  }
0x52: {  	_ =	shalt  }
0x53: {  	_ =	shalt  }
0x54: {  	_ =	shalt  }
0x55: {  	_ =	shalt  }
0x56: {  	_ =	shalt  }
0x57: {  	_ =	shalt  }
0x58: {  	_ =	shalt  }
0x59: {  	_ =	shalt  }
0x5a: {  	_ =	shalt  }
0x5b: {  	_ =	shalt  }
0x5c: {  	_ =	shalt  }
0x5d: {  	_ =	shalt  }
0x5e: {  	_ =	shalt  }
0x5f: {  	_ =	shalt  }
0x60: {  	_ =	shalt  }
0x61: {  	_ =	shalt  }
0x62: {  	_ =	shalt  }
0x63: {  	_ =	shalt  }
0x64: {  	_ =	shalt  }
0x65: {  	_ =	shalt  }
0x66: {  	_ =	shalt  }
0x67: {  	_ =	shalt  }
0x68: {  	_ =	shalt  }
0x69: {  	_ =	shalt  }
0x6a: {  	_ =	shalt  }
0x6b: {  	_ =	shalt  }
0x6c: {  	_ =	shalt  }
0x6d: {  	_ =	shalt  }
0x6e: {  	_ =	shalt  }
0x6f: {  	_ =	shalt  }
0x70: {  	_ =	shalt  }
0x71: {  	_ =	shalt  }
0x72: {  	_ =	shalt  }
0x73: {  	_ =	shalt  }
0x74: {  	_ =	shalt  }
0x75: {  	_ =	shalt  }
0x76: {  	_ =	shalt  }
0x77: {  	_ =	shalt  }
0x78: {  	_ =	shalt  }
0x79: {  	_ =	shalt  }
0x7a: {  	_ =	shalt  }
0x7b: {  	_ =	shalt  }
0x7c: {  	_ =	shalt  }
0x7d: {  	_ =	shalt  }
0x7e: {  	_ =	shalt  }
0x7f: {  	_ =	shalt  }
0x80: {  	_ =	shalt  }
0x81: {  	_ =	shalt  }
0x82: {  	_ =	shalt  }
0x83: {  	_ =	shalt  }
0x84: {  	_ =	shalt  }
0x85: {  	_ =	shalt  }
0x86: {  	_ =	shalt  }
0x87: {  	_ =	shalt  }
.Lfunc_end0:
.L_simem_size_0:
called_computation_lowered:
.L_overlay_start_0:
0x88: {  	s2 =	sld [smem:$0x3FD9]  }
0x89: {  	s3 =	sld [smem:$0x3FFE];
	_ =	sdelay $0x1  }
0x8a: {  	s1 =	srdreg.scid  }
0x8b: {  	s0 =	sand.u32 $0x1, s1  }
0x8c: {  	s17 =	sshll.u32 s0, $0xA;
	s2 =	sadd.s32 s3, s2  }
0x8d: {  	s2 =	sadd.s32 s2, s17  }
0x8e: {  	[smem:$0x3FBD] =	sst s2  }
0x8f: {  	_ = 	snop  }
0x90: {  	s2 =	sld [smem:$0x3FC9]  }
0x91: {  	s18 =	sld [smem:$0x3FD0];
	(tm) =	ssettm $0x1  }
0x92: {  	s4 =	sld [smem:$0x3FFB];
	_ =	sdelay $0x3  }
0x93: {  	_ =	strace s4  }
0x94: {  	s4 =	sld [smem:$0x3FFC];
	_ =	sdelay $0x3  }
0x95: {  	_ =	strace s4  }
0x96: {  	s4 =	sld [smem:$0x3FFD];
	_ =	sdelay $0x3  }
0x97: {  	_ =	strace s4  }
0x98: {  	_ =	strace $0x8FFFFFFF  }
0x99: {  	s19 =	sld [smem:$0x3FDB];
	_ =	sdelay $0x1  }
0x9a: {  	s5 =	simm.s32 $_scs_section_size  }
0x9b: {  	s6 =	simm.s32 $_size__tile_overlayer_lowered;
	s7 =	simm.s32 $_tile_overlayer_lowered  }
0x9c: {  	s22 =	simm.s32 $0x1BFF;
	s21 =	sshll.u32 s7, $0x1;
	s4 =	sadd.s32 s5, s19  }
0x9d: {  	s8 =	simm.s32 $0x0;
	s20 =	sshll.u32 s6, $0x1;
	s6 =	sadd.s32 s21, s4  }
0x9e: {  	[timem:s8], [sflag:s22] =	dma.local [hbm:s6], s20  }
0x9f: {  	_ =	swait.ge [sflag:s22], s20  }
0xa0: {  	s5 =	ssub.s32 $0x0, s20;
	[sflag:s22] =	ssyncset.done $0x0  }
0xa1: {  	[sflag:s22] =	ssyncadd.s32 s5;
	_ =	sdelay $0x1  }
0xa2: {  	s23 =	simm.s32 $0x1B8B  }
0xa3: {  	_ =	swait.ge [sflag:s23], $0x1  }
0xa4: {  	[sflag:s23] =	ssyncset.done $0x0  }
0xa5: {  	s25 =	simm.s32 $0x1B8E;
	s24 =	sld [smem:$0x3FFE];
	[sflag:s23] =	ssyncadd.s32 $0xFFFFFFFF  }
0xa6: {  	s26 =	simm.s32 $execute0_lowered;
	[smem:$0x3FD2] =	sst s25  }
0xa7: {  	s6 =	sshll.u32 s26, $0x1;
	_ =	strace $0x80000046;
	[dreg:$0x1] =	wrdreg $0xFFFFFFFF  }
0xa8: {  	s28 =	simm.s32 $_size_execute0_lowered;
	s4 =	sadd.s32 s4, s6;
	[dreg:$0x0] =	wrdreg $0x0  }
0xa9: {  	s6 =	sshll.u32 s28, $0x1;
	[dreg:$0x2] =	wrdreg s4  }
0xaa: {  	[dreg:$0x3] =	wrdreg s6  }
0xab: {  	[dreg:$0x4] =	wrdreg $0xC0  }
0xac: {  	_ =	task [dreg:s8], $0x5FFFF  }
0xad: {  	[dreg:$0x1] =	wrdreg $0xFFFFFFFF  }
0xae: {  	[dreg:$0x0] =	wrdreg $0x60  }
0xaf: {  	[dreg:$0x2] =	wrdreg s2  }
0xb0: {  	[dreg:$0x3] =	wrdreg s24  }
0xb1: {  	[dreg:$0x4] =	wrdreg s18  }
0xb2: {  	[dreg:$0x5] =	wrdreg $0x41000  }
0xb3: {  	[dreg:$0x6] =	wrdreg $0x9  }
0xb4: {  	_ =	task.clear_ibuf [dreg:s8], $0x7FFFF;
	_ =	strace $0x90000046  }
0xb5: {  	s29 =	simm.s32 $0x9;
	_ =	strace $0x80000048  }
0xb6: {  	_ =	swait.ge [sflag:s29], $0x1  }
0xb7: {  	[sflag:s29] =	ssyncadd.s32 $0xFFFFFFFF  }
0xb8: {  	_ =	strace $0x90000048  }
0xb9: {  	_ =	sfence  }
0xba: {  	s30 =	sld [smem:$0x0];
	_ =	sdelay $0x2  }
0xbb: {  	s31 =	sshll.u32 s1, $0xD;
	s1 =	sshrl.u32 s1, $0x2  }
0xbc: {  	s3 =	sand.u32 $0x4000, s31;
	s1 =	sadd.s32 s1, s30  }
0xbd: {  	s0 =	sor.u32 s3, s0;
	s1 =	sshll.u32 s1, $0x11  }
0xbe: {  	s0 =	sor.u32 s1, s0  }
0xbf: {  	s0 =	sadd.s32 $0x8F2B, s0  }
0xc0: {  	[sflag:s0] =	ssyncadd.remote.s32 $0x1  }
0xc1: {  	_ =	sfence.sel $0xFFFF  }
0xc2: {  	[dreg:$0x0] =	wrdreg $0xFFFFFFFF;
	(pc) =	sbr.abs _section_cstart, $3  }
0xc3: {  	[dreg:$0x1] =	wrdreg $0xFFFFFFFF  }
0xc4: {  	_ =	task.clear_ibuf [dreg:s8], $0x2FFFF;
	_ =	strace $0x9FFFFFFF  }
0xc5: {  	(tm) =	ssettm $0x7FFFFFFF  }
tec
execute0_lowered:
.L_overlay_start_1:
0x0: {  	(tag) =	ssettag $0x1  }
0x1: {  	s1 =	rddreg [dreg:$0x0]  }
0x2: {  	s7 =	rddreg [dreg:$0x1]  }
0x3: {  	s3 =	rddreg [dreg:$0x2]  }
0x4: {  	s4 =	rddreg [dreg:$0x3]  }
0x5: {  	s0 =	stileid.u32;
	s5 =	srdreg.scid  }
0x6: {  	s2 =	rddreg [dreg:$0x4];
	s15 =	simm.s32 $0x2;
	s6 =	smul.u32 $0x1E00, s0  }
0x7: {  	s16 =	simm.s32 $0x80;
	s17 =	simm.s32 $0x100;
	s9 =	smul.u32 $0x3100, s0  }
0x8: {  	s18 =	simm.s32 $0x1;
	s19 =	simm.s32 $0x0;
	s25 =	smul.u32 $0x13C00, s0  }
0x9: {  	s8 =	sand.u32 $0x1, s5;
	s5 =	simm.s32 $0x0;
	s28 =	smul.u32 $0x4F000, s0  }
0xa: {  	s31 =	sshll.u32 s0, $0x6;
	p0 =	seq.s32 s8, $0x0;
	s10 =	smul.u32 $0x13C000, s8  }
0xb: {  	[smem:$0x7FF] =	sst s5;
	s8 =	ssub.s32 $0x2, s8;
	s6 =	sadd.s32 $0x31000, s6  }
0xc: {  	_ =	strace $0x80000047;
	s29 =	sshrl.u32 s8, $0x1;
	s30 =	sshrl.u32 s28, $0x2  }
0xd: {  	s6 =	smov.u32 @p0 s9;
	s26 =	sadd.s32 s25, s10;
	s12 =	ssub.s32 s8, s29  }
0xe: {  	s14 =	sadd.s32 s30, s4;
	s8 =	sor.u32 $0x1C02, s31;
	s6 =	sshrl.u32 s6, $0x3  }
0xf: {  	s9 =	sshrl.u32 s26, $0x3;
	s14 =	sshrl.u32 s14, $0x3;
	s13 =	sadd.s32 s6, s7  }
0x10: {  	s6 =	sadd.s32 $0x16A00, s7;
	s11 =	sadd.s32 s9, s7;
	s7 =	simm.s32 $0x62  }
0x11: {  	s7 =	simm.s32 @!p0 $0x3C;
	s9 =	sadd.s32 $0x68200, s11;
	s10 =	sadd.s32 $0x19200, s11  }
0x12: {  	s11 =	smax.u32 s12, $0x1;
	s12 =	sadd.s32 $0x2E00, s13;
	s13 =	sadd.s32 $0xCC00, s13  }
.LBB2_1:
0x13: {  	[spmem:s14], [sflag:s8] =	dma.local [hbm:s6], $0x2780  }
0x14: {  	_ =	swait.ge [sflag:s15], $0x2780  }
0x15: {  	[sflag:s15] =	ssyncset.done $0x0  }
0x16: {  	[sflag:s15] =	ssyncadd.s32 $0xFFFFD880  }
0x17: {  	[bflag:$0x0] =	sbarrier.arrive $0xFFFF  }
0x18: {  	[tilespmem:s5], [sflag:$0x2] =	stream.linear.gather [hbm4b:s13+s5], $0x80, $0x38;
	[tilespmem:$0x17D00] =	vst v63  }
0x19: {  	_ =	swait.ge [sflag:s15], $0x80  }
0x1a: {  	[sflag:s15] =	ssyncset.done $0x0  }
0x1b: {  	[sflag:s15] =	ssyncadd.s32 $0xFFFFFF80  }
0x1c: {  	[tilespmem:s16], [sflag:$0x2] =	stream.linear.gather [hbm4b:s12+s5], $0x80, $0x38;
	[tilespmem:$0x17D00] =	vst v63  }
0x1d: {  	_ =	swait.ge [sflag:s15], $0x80  }
0x1e: {  	[sflag:s15] =	ssyncset.done $0x0  }
0x1f: {  	[sflag:s15] =	ssyncadd.s32 $0xFFFFFF80  }
0x20: {  	[tilespmem:s17], [sflag:$0x1] =	stream.indirect.gather [hbm4b:s1+s16], $0x80, s5, s16, $0xb8;
	[tilespmem:$0x17D00] =	vst v63  }
0x21: {  	p0 =	sne.s32 s7, $0x1;
	_ =	swait.ge [sflag:s18], $0x4000  }
.Ltmp0:
0x22: {  	[sflag:s18] =	ssyncset.done $0x0;
	(pc) =	sbr.rel @!p0 .LBB2_3-.Ltmp0, $4  }
0x23: {  	[sflag:s18] =	ssyncadd.s32 $0xFFFFC000  }
0x24: {  	[spmem:s4] =	stream.indirect.scatter.add.f32 [tilespmem:s17], [sflag:$0x2], $0x80, s16, s16, $0xb8;
	[tilespmem:$0x17D00] =	vst v63  }
0x25: {  	s20 =	sadd.s32 $0xFFFFFFFF, s7;
	_ =	swait.ge [sflag:s15], $0x4000  }
0x26: {  	s21 =	smov.u32 s12;
	s22 =	smov.u32 s13;
	[sflag:s15] =	ssyncset.done $0x0  }
.LBB2_2:
0x27: {  	[sflag:s15] =	ssyncadd.s32 $0xFFFFC000;
	s21 =	sadd.s32 $0x10, s21;
	s22 =	sadd.s32 $0x10, s22  }
0x28: {  	[tilespmem:s5], [sflag:$0x2] =	stream.linear.gather [hbm4b:s22+s5], $0x80, $0x38;
	[tilespmem:$0x17D00] =	vst v63  }
0x29: {  	p1 =	sne.s32 s20, $0x1;
	s20 =	sadd.s32 $0xFFFFFFFF, s20;
	_ =	swait.ge [sflag:s15], $0x80  }
0x2a: {  	[sflag:s15] =	ssyncset.done $0x0  }
0x2b: {  	[sflag:s15] =	ssyncadd.s32 $0xFFFFFF80  }
0x2c: {  	[tilespmem:s16], [sflag:$0x2] =	stream.linear.gather [hbm4b:s21+s5], $0x80, $0x38;
	[tilespmem:$0x17D00] =	vst v63  }
0x2d: {  	_ =	swait.ge [sflag:s15], $0x80  }
0x2e: {  	[sflag:s15] =	ssyncset.done $0x0  }
0x2f: {  	[sflag:s15] =	ssyncadd.s32 $0xFFFFFF80  }
0x30: {  	[tilespmem:s17], [sflag:$0x1] =	stream.indirect.gather [hbm4b:s1+s16], $0x80, s5, s16, $0xb8;
	[tilespmem:$0x17D00] =	vst v63  }
0x31: {  	_ =	swait.ge [sflag:s18], $0x4000  }
.Ltmp1:
0x32: {  	[sflag:s18] =	ssyncset.done $0x0;
	(pc) =	sbr.rel @p1 .LBB2_2-.Ltmp1, $4  }
0x33: {  	[sflag:s18] =	ssyncadd.s32 $0xFFFFC000  }
0x34: {  	[spmem:s4] =	stream.indirect.scatter.add.f32 [tilespmem:s17], [sflag:$0x2], $0x80, s16, s16, $0xb8;
	[tilespmem:$0x17D00] =	vst v63  }
0x35: {  	_ =	swait.ge [sflag:s15], $0x4000  }
0x36: {  	[sflag:s15] =	ssyncset.done $0x0  }
.LBB2_3:
0x37: {  	[sflag:s15] =	ssyncadd.s32 $0xFFFFC000  }
0x38: {  	[bflag:$0x0] =	sbarrier.arrive $0xFFFF  }
0x39: {  	[hbm:s9], [sflag:s8] =	dma.local [spmem:s14], $0x2780  }
0x3a: {  	_ =	swait.ge [sflag:s15], $0x2780  }
0x3b: {  	[sflag:s15] =	ssyncset.done $0x0  }
0x3c: {  	[sflag:s15] =	ssyncadd.s32 $0xFFFFD880  }
0x3d: {  	[bflag:$0x0] =	sbarrier.arrive $0xFFFF  }
0x3e: {  	[spmem:s14], [sflag:s8] =	dma.local [hbm:s6], $0x2780  }
0x3f: {  	_ =	swait.ge [sflag:s15], $0x2780  }
0x40: {  	[sflag:s15] =	ssyncset.done $0x0  }
0x41: {  	[sflag:s15] =	ssyncadd.s32 $0xFFFFD880  }
0x42: {  	[tilespmem:s17], [sflag:$0x2] =	stream.linear.gather [hbm4b:s3+s5], $0x4000, $0x38;
	[tilespmem:$0x17D00] =	vst v63  }
0x43: {  	_ =	swait.ge [sflag:s15], $0x4000  }
0x44: {  	[sflag:s15] =	ssyncset.done $0x0  }
0x45: {  	[sflag:s15] =	ssyncadd.s32 $0xFFFFC000  }
0x46: {  	[bflag:$0x0] =	sbarrier.arrive $0xFFFF  }
0x47: {  	[tilespmem:s16], [sflag:$0x2] =	stream.linear.gather [hbm4b:s12+s5], $0x80, $0x38;
	[tilespmem:$0x17D00] =	vst v63  }
0x48: {  	_ =	swait.ge [sflag:s15], $0x80  }
.Ltmp2:
0x49: {  	[sflag:s15] =	ssyncset.done $0x0;
	(pc) =	sbr.rel @!p0 .LBB2_5-.Ltmp2, $4  }
0x4a: {  	[sflag:s15] =	ssyncadd.s32 $0xFFFFFF80  }
0x4b: {  	[spmem:s4] =	stream.indirect.scatter.add.f32 [tilespmem:s17], [sflag:$0x2], $0x80, s16, s16, $0xb8;
	[tilespmem:$0x17D00] =	vst v63  }
0x4c: {  	_ =	swait.ge [sflag:s15], $0x4000  }
0x4d: {  	s20 =	sadd.s32 $0xFFFFFFFF, s7;
	s21 =	smov.u32 s12;
	[sflag:s15] =	ssyncset.done $0x0  }
.LBB2_4:
0x4e: {  	p0 =	sne.s32 s20, $0x1;
	[sflag:s15] =	ssyncadd.s32 $0xFFFFC000;
	s21 =	sadd.s32 $0x10, s21  }
0x4f: {  	[tilespmem:s16], [sflag:$0x2] =	stream.linear.gather [hbm4b:s21+s5], $0x80, $0x38;
	[tilespmem:$0x17D00] =	vst v63  }
0x50: {  	s20 =	sadd.s32 $0xFFFFFFFF, s20;
	_ =	swait.ge [sflag:s15], $0x80  }
.Ltmp3:
0x51: {  	[sflag:s15] =	ssyncset.done $0x0;
	(pc) =	sbr.rel @p0 .LBB2_4-.Ltmp3, $4  }
0x52: {  	[sflag:s15] =	ssyncadd.s32 $0xFFFFFF80  }
0x53: {  	[spmem:s4] =	stream.indirect.scatter.add.f32 [tilespmem:s17], [sflag:$0x2], $0x80, s16, s16, $0xb8;
	[tilespmem:$0x17D00] =	vst v63  }
0x54: {  	_ =	swait.ge [sflag:s15], $0x4000  }
0x55: {  	[sflag:s15] =	ssyncset.done $0x0  }
.LBB2_5:
0x56: {  	s19 =	sadd.s32 $0x1, s19  }
0x57: {  	[sflag:s15] =	ssyncadd.s32 $0xFFFFC000;
	p0 =	sne.s32 s19, s11  }
.Ltmp4:
0x58: {  	[bflag:$0x0] =	sbarrier.arrive $0xFFFF;
	(pc) =	sbr.rel @p0 .LBB2_1-.Ltmp4, $4  }
0x59: {  	[hbm:s10], [sflag:s8] =	dma.local [spmem:s14], $0x2780  }
0x5a: {  	_ =	swait.ge [sflag:s15], $0x2780  }
0x5b: {  	[sflag:s15] =	ssyncset.done $0x0  }
0x5c: {  	[sflag:s15] =	ssyncadd.s32 $0xFFFFD880  }
0x5d: {  	_ =	sfence.sel $0x180000  }
0x5e: {  	[bflag:$0x0] =	sbarrier.arrive $0xFFFF  }
0x5f: {  	p0 =	sne.s32 s0, $0x0;
	_ =	strace $0x90000047  }
0x60: {  	s0 =	sadd.s32 @!p0 $0x100000, s2;
	[bflag:$0x2] =	sbarrier.arrive $0xFFFF  }
0x61: {  	[sflag:s0] =	ssyncadd.tile.s32 @!p0 $0x1;
	_ =	shalt  }
.Lfunc_end2:
_tile_overlayer_lowered:
.L_overlay_start_2:
0x62: {  	(tag) =	ssettag $0x2  }
0x63: {  	s0 =	rddreg [dreg:$0x0];
	s2 =	stileid.u32  }
0x64: {  	s1 =	rddreg [dreg:$0x1];
	p0 =	sne.s32 s2, $0x0  }
0x65: {  	s3 =	rddreg [dreg:$0x2];
	[bflag:$0x3] =	sbarrier.arrive $0xFFFF;
	s2 =	simm.s32 @!p0 $0x1C02  }
0x66: {  	[timem:s3], [sflag:s2] =	dma.local @!p0 [hbm:s0], s1  }
0x67: {  	s0 =	simm.s32 @!p0 $0x2  }
0x68: {  	_ =	swait.ge @!p0 [sflag:s0], s1  }
0x69: {  	s1 =	ssub.s32 @!p0 $0x0, s1;
	[sflag:s0] =	ssyncset.done @!p0 $0x0  }
0x6a: {  	[sflag:s0] =	ssyncadd.s32 @!p0 s1  }
0x6b: {  	[bflag:$0x3] =	sbarrier.arrive $0xFFFF  }
0x6c: {  	_ =	shalt  }

</sc_bundles>
